<compile_context>
chip_gen: v7x
topology: tpu7x:2x2x1
jax: 0.10.2.dev20260603
libtpu: 0.0.44.dev20260713+nightly
codegen_flags: <defaults>
</compile_context>

<pallas_src>
import functools
import math

import jax
import jax.numpy as jnp
from jax import lax
from jax.experimental import pallas as pl
from jax.experimental.pallas import tpu as pltpu
from jax.experimental.pallas import tpu_sc as plsc

DIM = 128
HALF = 64
RANGE_MAX = 250.0
LOG_THETA = math.log(10000.0)

_NC = 2
_NS = 16
_NW = _NC * _NS
_K = 128


def _sc_gather(table, idx4, half, Bh):
    b_per_w = Bh // _NW
    n_chunks = b_per_w // _K
    mesh = plsc.VectorSubcoreMesh(core_axis_name="c", subcore_axis_name="s")

    @functools.partial(
        pl.kernel,
        mesh=mesh,
        out_type=jax.ShapeDtypeStruct((Bh, DIM), jnp.float32),
        scratch_types=[
            pltpu.VMEM((n_chunks, _K), jnp.int32),
            pltpu.VMEM((b_per_w, DIM), jnp.float32),
            pltpu.SemaphoreType.DMA,
        ],
    )
    def gather_kernel(table_hbm, idx_hbm, out_hbm, idx_v, rows_v, sem):
        wid = lax.axis_index("s") * _NC + lax.axis_index("c")
        pltpu.sync_copy(idx_hbm.at[half, wid], idx_v)
        copies = [
            pltpu.async_copy(
                table_hbm.at[idx_v.at[j]], rows_v.at[pl.ds(j * _K, _K)], sem
            )
            for j in range(n_chunks)
        ]
        for c in copies:
            c.wait()
        pltpu.sync_copy(rows_v, out_hbm.at[pl.ds(wid * b_per_w, b_per_w)])

    return gather_kernel(table, idx4)


def _sin01(x):
    x2 = x * x
    return x * (1.0 + x2 * (-1.0 / 6.0 + x2 * (1.0 / 120.0 + x2 * (-1.0 / 5040.0))))


def _cos01(x):
    x2 = x * x
    return 1.0 + x2 * (-0.5 + x2 * (1.0 / 24.0 + x2 * (-1.0 / 720.0 + x2 * (1.0 / 40320.0))))


def _make_dense_body(bs, grid, base, aliased):
    def body(*refs):
        if aliased:
            refs = refs[1:]
        (rows_ref, xt_ref, wd1, bd1, wd2, bd2, wc1, bc1, wc2, bc2,
         sep_ref, g_ref, b_ref, out_ref, sep_buf, d_buf, c_buf, sems) = refs
        i = pl.program_id(0)
        slot = lax.rem(i, 2)
        g = g_ref[...].reshape(1, DIM)
        b = b_ref[...].reshape(1, DIM)

        def ln(x):
            m = jnp.mean(x, axis=-1, keepdims=True)
            c = x - m
            v = jnp.mean(c * c, axis=-1, keepdims=True)
            return c * lax.rsqrt(v + 1e-5) * g + b

        def plane_dma(buf, step, plane, sem):
            return pltpu.make_async_copy(
                buf, out_ref.at[pl.ds(base + step * bs, bs), plane, :], sem)

        def wait_step(step, s):
            plane_dma(sep_buf, step, 0, sems.at[0, s]).wait()
            plane_dma(d_buf.at[s], step, 1, sems.at[1, s]).wait()
            plane_dma(c_buf.at[s], step, 2, sems.at[2, s]).wait()

        @pl.when(i >= 2)
        def _drain_old():
            wait_step(i - 2, slot)

        @pl.when(i == 0)
        def _fill_sep():
            sep_n = ln(sep_ref[...].reshape(1, DIM))
            sep_buf[...] = jnp.broadcast_to(sep_n, (bs, DIM))

        rows = rows_ref[...]
        h = jnp.dot(rows, wd1[...], preferred_element_type=jnp.float32)
        h = h + bd1[...].reshape(1, DIM)
        h = h * jax.nn.sigmoid(h)
        emb_d = jnp.dot(h, wd2[...], preferred_element_type=jnp.float32)
        emb_d = emb_d + bd2[...].reshape(1, DIM)
        d_buf[slot] = ln(emb_d)

        xc = jnp.clip(xt_ref[...].reshape(1, bs), 0.0, RANGE_MAX) * (1.0 / RANGE_MAX)
        f = lax.broadcasted_iota(jnp.int32, (HALF, 1), 0).astype(jnp.float32) * (1.0 / HALF)
        inv = jnp.exp(-LOG_THETA * f)
        ang = inv * xc
        feat_t = jnp.concatenate([_sin01(ang), _cos01(ang)], axis=0)
        h2 = lax.dot_general(feat_t, wc1[...], (((0,), (0,)), ((), ())),
                             preferred_element_type=jnp.float32)
        h2 = h2 + bc1[...].reshape(1, DIM)
        h2 = h2 * jax.nn.sigmoid(h2)
        emb_c = jnp.dot(h2, wc2[...], preferred_element_type=jnp.float32)
        emb_c = emb_c + bc2[...].reshape(1, DIM)
        c_buf[slot] = ln(emb_c)

        plane_dma(sep_buf, i, 0, sems.at[0, slot]).start()
        plane_dma(d_buf.at[slot], i, 1, sems.at[1, slot]).start()
        plane_dma(c_buf.at[slot], i, 2, sems.at[2, slot]).start()

        @pl.when(i == grid - 1)
        def _drain_tail():
            if grid >= 2:
                wait_step(i - 1, 1 - slot)
            wait_step(i, slot)

    return body


def _tc_dense_half(B_total, rows, xt, Wd1, bd1, Wd2, bd2, Wc1, bc1, Wc2, bc2,
                   sep, ln_g, ln_b, base, prev=None, interpret=False):
    Bh = rows.shape[0]
    bs = 4096
    grid = Bh // bs
    base_blk = base // bs
    w_spec = pl.BlockSpec((DIM, DIM), lambda i: (0, 0))
    b_spec = pl.BlockSpec((DIM,), lambda i: (0,))
    in_specs = [
        pl.BlockSpec((bs, DIM), lambda i: (i, 0)),
        pl.BlockSpec((1, 1, bs), lambda i: (base_blk + i, 0, 0)),
        w_spec, b_spec, w_spec, b_spec,
        w_spec, b_spec, w_spec, b_spec,
        pl.BlockSpec((1, 1, DIM), lambda i: (0, 0, 0)),
        b_spec, b_spec,
    ]
    operands = [rows, xt, Wd1, bd1, Wd2, bd2, Wc1, bc1, Wc2, bc2, sep, ln_g, ln_b]
    aliases = {}
    if prev is not None:
        in_specs = [pl.BlockSpec(memory_space=pl.ANY)] + in_specs
        operands = [prev] + operands
        aliases = {0: 0}
    return pl.pallas_call(
        _make_dense_body(bs, grid, base, prev is not None),
        grid=(grid,),
        in_specs=in_specs,
        out_specs=pl.BlockSpec(memory_space=pl.ANY),
        out_shape=jax.ShapeDtypeStruct((B_total, 3, DIM), jnp.float32),
        scratch_shapes=[
            pltpu.VMEM((bs, DIM), jnp.float32),
            pltpu.VMEM((2, bs, DIM), jnp.float32),
            pltpu.VMEM((2, bs, DIM), jnp.float32),
            pltpu.SemaphoreType.DMA((3, 2)),
        ],
        input_output_aliases=aliases,
        interpret=interpret,
    )(*operands)


def kernel(idx_genre, x_tempo, emb_table, Wd1, bd1, Wd2, bd2, Wc1, bc1,
           Wc2, bc2, sep_token, ln_g, ln_b):
    idx = idx_genre.astype(jnp.int32)
    B = idx.shape[0]
    H = B // 2
    bs = 4096
    idx4 = idx.reshape(2, _NW, (H // _NW) // _K, _K)
    xt3 = x_tempo.reshape(B // bs, 1, bs)
    rows0 = _sc_gather(emb_table, idx4, 0, H)
    rows1 = _sc_gather(emb_table, idx4, 1, H)
    args = (Wd1, bd1, Wd2, bd2, Wc1, bc1, Wc2, bc2, sep_token, ln_g, ln_b)
    out0 = _tc_dense_half(B, rows0, xt3, *args, base=0)
    return _tc_dense_half(B, rows1, xt3, *args, base=H, prev=out0)

# --- scband reference (transcript-rebuilt; emitter-appended) ---
"""Pipeline reference for scband-condition-embedding-85478439125004 (READ-ONLY COPY).

The authoritative reference and input builder live on the scoring server;
editing this copy changes nothing except your own understanding.
"""

import jax, jax.numpy as jnp
import numpy as np
import math

DIM = 128
NUM_CLASSES = 100000
BATCH = 16384
RANGE_MIN = 0.0
RANGE_MAX = 250.0
THETA = 10000


def _mlp(x, W1, b1, W2, b2):
    h = x @ W1 + b1
    h = h * jax.nn.sigmoid(h)  # SiLU
    return h @ W2 + b2


def _sinusoidal(pos):
    half = DIM // 2
    freq_seq = jnp.arange(half, dtype=jnp.float32) / half
    inv_freq = jnp.exp(-math.log(THETA) * freq_seq)
    emb = pos[:, None] * inv_freq[None, :]
    return jnp.concatenate([jnp.sin(emb), jnp.cos(emb)], axis=-1)


def setup_inputs(seed: int = 0) -> dict:
    key = jax.random.key(seed)
    ks = jax.random.split(key, 12)
    s = 1.0 / math.sqrt(DIM)
    return {
        "idx_genre": jax.random.randint(ks[0], (BATCH,), 0, NUM_CLASSES),
        "x_tempo": jax.random.uniform(ks[1], (BATCH,), dtype=jnp.float32) * 300.0,
        "emb_table": jax.random.normal(ks[2], (NUM_CLASSES, DIM), dtype=jnp.float32) * 0.02,
        "Wd1": jax.random.normal(ks[3], (DIM, DIM), dtype=jnp.float32) * s,
        "bd1": jnp.zeros((DIM,), dtype=jnp.float32),
        "Wd2": jax.random.normal(ks[4], (DIM, DIM), dtype=jnp.float32) * s,
        "bd2": jnp.zeros((DIM,), dtype=jnp.float32),
        "Wc1": jax.random.normal(ks[5], (DIM, DIM), dtype=jnp.float32) * s,
        "bc1": jnp.zeros((DIM,), dtype=jnp.float32),
        "Wc2": jax.random.normal(ks[6], (DIM, DIM), dtype=jnp.float32) * s,
        "bc2": jnp.zeros((DIM,), dtype=jnp.float32),
        "sep_token": jnp.zeros((1, 1, DIM), dtype=jnp.float32),
        "ln_g": jnp.ones((DIM,), dtype=jnp.float32),
        "ln_b": jnp.zeros((DIM,), dtype=jnp.float32),
    }


def reference(idx_genre, x_tempo, emb_table, Wd1, bd1, Wd2, bd2, Wc1, bc1, Wc2, bc2, sep_token, ln_g, ln_b):
    # discrete condition: embedding gather + MLP (DiscreteConditionEmbedding, x.dim()==1 path)
    emb_d = _mlp(jnp.take(emb_table, idx_genre, axis=0), Wd1, bd1, Wd2, bd2)
    # continuous condition: clamp/normalize + sinusoidal + MLP (ContinuousConditionEmbedding)
    xc = jnp.clip(x_tempo, RANGE_MIN, RANGE_MAX)
    xc = (xc - RANGE_MIN) / (RANGE_MAX - RANGE_MIN)
    emb_c = _mlp(_sinusoidal(xc), Wc1, bc1, Wc2, bc2)
    # stack per-key embeddings along dim 1, prepend sep token, layernorm
    emb = jnp.stack([emb_d, emb_c], axis=1)  # [B, 2, D]
    sep = jnp.broadcast_to(sep_token, (emb.shape[0], 1, DIM))
    emb = jnp.concatenate([sep, emb], axis=1)  # [B, 3, D]
    mean = emb.mean(axis=-1, keepdims=True)
    var = emb.var(axis=-1, keepdims=True)
    return (emb - mean) / jnp.sqrt(var + 1e-5) * ln_g + ln_b

if __name__ == "__main__":
    import jax
    _d = setup_inputs()
    print(jax.jit(kernel)(*tuple(_d.values())))

</pallas_src>

<mosaic_0001>
#map = affine_map<(d0, d1) -> (0, 0)>
#map1 = affine_map<(d0, d1) -> (0, 0, 0, 0)>
module attributes {stable_mosaic.version = 14 : i64} {
  func.func @gather_kernel(%arg0: i32, %arg1: i32, %arg2: memref<100000x128xf32, #tpu.memory_space<hbm>>, %arg3: memref<2x32x2x128xi32, #tpu.memory_space<hbm>>, %arg4: memref<8192x128xf32, #tpu.memory_space<hbm>>, %arg5: memref<2x128xi32, #tpu.memory_space<vmem>>, %arg6: memref<256x128xf32, #tpu.memory_space<vmem>>, %arg7: memref<!tpu.dma_semaphore, #tpu.memory_space<semaphore_mem>>) attributes {dimension_semantics = [#tpu.dimension_semantics<core_parallel>, #tpu.dimension_semantics<subcore_parallel>], iteration_bounds = array<i64: 2, 16>, scalar_prefetch = 0 : i64, scratch_operands = 3 : i64, tpu.core_type = #tpu.core_type<sc_vector_subcore>, window_params = [{transform_indices = #map}, {transform_indices = #map1}, {transform_indices = #map}]} {
    %mul3A = arith.constant 2 : i32
    %mul3A_0 = arith.muli %arg1, %mul3A : i32
    %add3A = arith.addi %mul3A_0, %arg0 : i32
    %run_scoped3A = arith.constant 1 : i32
    "tpu.region"() ({
      %run_scoped3A_41 = tpu.sem_alloc : memref<!tpu.dma_semaphore, #tpu.memory_space<semaphore_mem>>
      %dma_start3A_42 = arith.constant 0 : i32
      %dma_start3A_43 = arith.constant 0 : i32
      %dma_start3A_44 = tpu.memref_slice %arg3[%run_scoped3A, %add3A, %dma_start3A_42, %dma_start3A_43] : memref<2x32x2x128xi32, #tpu.memory_space<hbm>> -> memref<1x1x2x128xi32, #tpu.memory_space<hbm>>
      %dma_start3A_45 = tpu.memref_squeeze %dma_start3A_44 : memref<1x1x2x128xi32, #tpu.memory_space<hbm>> -> memref<2x128xi32, #tpu.memory_space<hbm>>
      %dma_start3A_46 = arith.constant 0 : i32
      %dma_start3A_47 = arith.constant 0 : i32
      %dma_start3A_48 = tpu.memref_slice %arg3[%run_scoped3A, %add3A, %dma_start3A_46, %dma_start3A_47] : memref<2x32x2x128xi32, #tpu.memory_space<hbm>> -> memref<1x1x2x128xi32, #tpu.memory_space<hbm>>
      %dma_start3A_49 = tpu.memref_squeeze %dma_start3A_48 : memref<1x1x2x128xi32, #tpu.memory_space<hbm>> -> memref<2x128xi32, #tpu.memory_space<hbm>>
      tpu.enqueue_dma source(%dma_start3A_49 : memref<2x128xi32, #tpu.memory_space<hbm>>) target(%arg5 : memref<2x128xi32, #tpu.memory_space<vmem>>) target_semaphore(%run_scoped3A_41 : memref<!tpu.dma_semaphore, #tpu.memory_space<semaphore_mem>>)
      %dma_wait3A_50 = arith.constant 0 : i32
      %dma_wait3A_51 = arith.constant 0 : i32
      %dma_wait3A_52 = tpu.memref_slice %arg3[%run_scoped3A, %add3A, %dma_wait3A_50, %dma_wait3A_51] : memref<2x32x2x128xi32, #tpu.memory_space<hbm>> -> memref<1x1x2x128xi32, #tpu.memory_space<hbm>>
      %dma_wait3A_53 = tpu.memref_squeeze %dma_wait3A_52 : memref<1x1x2x128xi32, #tpu.memory_space<hbm>> -> memref<2x128xi32, #tpu.memory_space<hbm>>
      %dma_wait3A_54 = arith.constant 0 : i32
      %dma_wait3A_55 = arith.constant 0 : i32
      %dma_wait3A_56 = tpu.memref_slice %arg3[%run_scoped3A, %add3A, %dma_wait3A_54, %dma_wait3A_55] : memref<2x32x2x128xi32, #tpu.memory_space<hbm>> -> memref<1x1x2x128xi32, #tpu.memory_space<hbm>>
      %dma_wait3A_57 = tpu.memref_squeeze %dma_wait3A_56 : memref<1x1x2x128xi32, #tpu.memory_space<hbm>> -> memref<2x128xi32, #tpu.memory_space<hbm>>
      tpu.wait_dma2 semaphore(%run_scoped3A_41 : memref<!tpu.dma_semaphore, #tpu.memory_space<semaphore_mem>>) src(%dma_wait3A_57 : memref<2x128xi32, #tpu.memory_space<hbm>>) dst(%arg5 : memref<2x128xi32, #tpu.memory_space<vmem>>)
      tpu.yield
    }) : () -> ()
    %dma_start3A = arith.constant 0 : i32
    %dma_start3A_1 = arith.constant 0 : i32
    %dma_start3A_2 = arith.constant 0 : i32
    %dma_start3A_3 = tpu.memref_slice %arg6[%dma_start3A_1, %dma_start3A_2] : memref<256x128xf32, #tpu.memory_space<vmem>> -> memref<128x128xf32, #tpu.memory_space<vmem>>
    %dma_start3A_4 = arith.constant 0 : i32
    %dma_start3A_5 = tpu.memref_slice %arg5[%dma_start3A, %dma_start3A_4] : memref<2x128xi32, #tpu.memory_space<vmem>> -> memref<1x128xi32, #tpu.memory_space<vmem>>
    %dma_start3A_6 = tpu.memref_squeeze %dma_start3A_5 : memref<1x128xi32, #tpu.memory_space<vmem>> -> memref<128xi32, #tpu.memory_space<vmem>>
    %dma_start3A_7 = arith.constant 0 : i32
    %dma_start3A_8 = arith.constant 0 : i32
    %dma_start3A_9 = tpu.memref_slice %arg2[%dma_start3A_7, %dma_start3A_8] : memref<100000x128xf32, #tpu.memory_space<hbm>> -> memref<100000x128xf32, #tpu.memory_space<hbm>>
    tpu.enqueue_indirect_dma source(%dma_start3A_9 : memref<100000x128xf32, #tpu.memory_space<hbm>>) target(%dma_start3A_3 : memref<128x128xf32, #tpu.memory_space<vmem>>) offsets(%dma_start3A_6 : memref<128xi32, #tpu.memory_space<vmem>>) semaphore(%arg7 : memref<!tpu.dma_semaphore, #tpu.memory_space<semaphore_mem>>)
    %dma_start3A_10 = arith.constant 1 : i32
    %dma_start3A_11 = arith.constant 128 : i32
    %dma_start3A_12 = arith.constant 0 : i32
    %dma_start3A_13 = tpu.memref_slice %arg6[%dma_start3A_11, %dma_start3A_12] : memref<256x128xf32, #tpu.memory_space<vmem>> -> memref<128x128xf32, #tpu.memory_space<vmem>>
    %dma_start3A_14 = arith.constant 0 : i32
    %dma_start3A_15 = tpu.memref_slice %arg5[%dma_start3A_10, %dma_start3A_14] : memref<2x128xi32, #tpu.memory_space<vmem>> -> memref<1x128xi32, #tpu.memory_space<vmem>>
    %dma_start3A_16 = tpu.memref_squeeze %dma_start3A_15 : memref<1x128xi32, #tpu.memory_space<vmem>> -> memref<128xi32, #tpu.memory_space<vmem>>
    %dma_start3A_17 = arith.constant 0 : i32
    %dma_start3A_18 = arith.constant 0 : i32
    %dma_start3A_19 = tpu.memref_slice %arg2[%dma_start3A_17, %dma_start3A_18] : memref<100000x128xf32, #tpu.memory_space<hbm>> -> memref<100000x128xf32, #tpu.memory_space<hbm>>
    tpu.enqueue_indirect_dma source(%dma_start3A_19 : memref<100000x128xf32, #tpu.memory_space<hbm>>) target(%dma_start3A_13 : memref<128x128xf32, #tpu.memory_space<vmem>>) offsets(%dma_start3A_16 : memref<128xi32, #tpu.memory_space<vmem>>) semaphore(%arg7 : memref<!tpu.dma_semaphore, #tpu.memory_space<semaphore_mem>>)
    %dma_wait3A = arith.constant 0 : i32
    %dma_wait3A_20 = arith.constant 0 : i32
    %dma_wait3A_21 = arith.constant 0 : i32
    %dma_wait3A_22 = tpu.memref_slice %arg6[%dma_wait3A_20, %dma_wait3A_21] : memref<256x128xf32, #tpu.memory_space<vmem>> -> memref<128x128xf32, #tpu.memory_space<vmem>>
    %dma_wait3A_23 = arith.constant 0 : i32
    %dma_wait3A_24 = tpu.memref_slice %arg5[%dma_wait3A, %dma_wait3A_23] : memref<2x128xi32, #tpu.memory_space<vmem>> -> memref<1x128xi32, #tpu.memory_space<vmem>>
    %dma_wait3A_25 = tpu.memref_squeeze %dma_wait3A_24 : memref<1x128xi32, #tpu.memory_space<vmem>> -> memref<128xi32, #tpu.memory_space<vmem>>
    %dma_wait3A_26 = arith.constant 0 : i32
    %dma_wait3A_27 = arith.constant 0 : i32
    %dma_wait3A_28 = tpu.memref_slice %arg2[%dma_wait3A_26, %dma_wait3A_27] : memref<100000x128xf32, #tpu.memory_space<hbm>> -> memref<100000x128xf32, #tpu.memory_space<hbm>>
    tpu.wait_indirect_dma semaphore(%arg7 : memref<!tpu.dma_semaphore, #tpu.memory_space<semaphore_mem>>) src(%dma_wait3A_28 : memref<100000x128xf32, #tpu.memory_space<hbm>>) dst(%dma_wait3A_22 : memref<128x128xf32, #tpu.memory_space<vmem>>)
    %dma_wait3A_29 = arith.constant 1 : i32
    %dma_wait3A_30 = arith.constant 128 : i32
    %dma_wait3A_31 = arith.constant 0 : i32
    %dma_wait3A_32 = tpu.memref_slice %arg6[%dma_wait3A_30, %dma_wait3A_31] : memref<256x128xf32, #tpu.memory_space<vmem>> -> memref<128x128xf32, #tpu.memory_space<vmem>>
    %dma_wait3A_33 = arith.constant 0 : i32
    %dma_wait3A_34 = tpu.memref_slice %arg5[%dma_wait3A_29, %dma_wait3A_33] : memref<2x128xi32, #tpu.memory_space<vmem>> -> memref<1x128xi32, #tpu.memory_space<vmem>>
    %dma_wait3A_35 = tpu.memref_squeeze %dma_wait3A_34 : memref<1x128xi32, #tpu.memory_space<vmem>> -> memref<128xi32, #tpu.memory_space<vmem>>
    %dma_wait3A_36 = arith.constant 0 : i32
    %dma_wait3A_37 = arith.constant 0 : i32
    %dma_wait3A_38 = tpu.memref_slice %arg2[%dma_wait3A_36, %dma_wait3A_37] : memref<100000x128xf32, #tpu.memory_space<hbm>> -> memref<100000x128xf32, #tpu.memory_space<hbm>>
    tpu.wait_indirect_dma semaphore(%arg7 : memref<!tpu.dma_semaphore, #tpu.memory_space<semaphore_mem>>) src(%dma_wait3A_38 : memref<100000x128xf32, #tpu.memory_space<hbm>>) dst(%dma_wait3A_32 : memref<128x128xf32, #tpu.memory_space<vmem>>)
    %mul3A_39 = arith.constant 256 : i32
    %mul3A_40 = arith.muli %add3A, %mul3A_39 : i32
    "tpu.region"() ({
      %run_scoped3A_41 = tpu.sem_alloc : memref<!tpu.dma_semaphore, #tpu.memory_space<semaphore_mem>>
      %dma_start3A_42 = arith.constant 0 : i32
      %dma_start3A_43 = tpu.memref_slice %arg4[%mul3A_40, %dma_start3A_42] : memref<8192x128xf32, #tpu.memory_space<hbm>> -> memref<256x128xf32, #tpu.memory_space<hbm>>
      %dma_start3A_44 = arith.constant 0 : i32
      %dma_start3A_45 = tpu.memref_slice %arg4[%mul3A_40, %dma_start3A_44] : memref<8192x128xf32, #tpu.memory_space<hbm>> -> memref<256x128xf32, #tpu.memory_space<hbm>>
      tpu.enqueue_dma source(%arg6 : memref<256x128xf32, #tpu.memory_space<vmem>>) target(%dma_start3A_45 : memref<256x128xf32, #tpu.memory_space<hbm>>) target_semaphore(%run_scoped3A_41 : memref<!tpu.dma_semaphore, #tpu.memory_space<semaphore_mem>>)
      %dma_wait3A_46 = arith.constant 0 : i32
      %dma_wait3A_47 = tpu.memref_slice %arg4[%mul3A_40, %dma_wait3A_46] : memref<8192x128xf32, #tpu.memory_space<hbm>> -> memref<256x128xf32, #tpu.memory_space<hbm>>
      %dma_wait3A_48 = arith.constant 0 : i32
      %dma_wait3A_49 = tpu.memref_slice %arg4[%mul3A_40, %dma_wait3A_48] : memref<8192x128xf32, #tpu.memory_space<hbm>> -> memref<256x128xf32, #tpu.memory_space<hbm>>
      tpu.wait_dma2 semaphore(%run_scoped3A_41 : memref<!tpu.dma_semaphore, #tpu.memory_space<semaphore_mem>>) src(%arg6 : memref<256x128xf32, #tpu.memory_space<vmem>>) dst(%dma_wait3A_49 : memref<256x128xf32, #tpu.memory_space<hbm>>)
      tpu.yield
    }) : () -> ()
    return
  }
}

#map = affine_map<(d0, d1) -> (0, 0)>
#map1 = affine_map<(d0, d1) -> (0, 0, 0, 0)>
module attributes {stable_mosaic.version = 14 : i64} {
  func.func @gather_kernel(%arg0: i32, %arg1: i32, %arg2: memref<100000x128xf32, #tpu.memory_space<hbm>>, %arg3: memref<2x32x2x128xi32, #tpu.memory_space<hbm>>, %arg4: memref<8192x128xf32, #tpu.memory_space<hbm>>, %arg5: memref<2x128xi32, #tpu.memory_space<vmem>>, %arg6: memref<256x128xf32, #tpu.memory_space<vmem>>, %arg7: memref<!tpu.dma_semaphore, #tpu.memory_space<semaphore_mem>>) attributes {dimension_semantics = [#tpu.dimension_semantics<core_parallel>, #tpu.dimension_semantics<subcore_parallel>], iteration_bounds = array<i64: 2, 16>, scalar_prefetch = 0 : i64, scratch_operands = 3 : i64, tpu.core_type = #tpu.core_type<sc_vector_subcore>, window_params = [{transform_indices = #map}, {transform_indices = #map1}, {transform_indices = #map}]} {
    %mul3A = arith.constant 2 : i32
    %mul3A_0 = arith.muli %arg1, %mul3A : i32
    %add3A = arith.addi %mul3A_0, %arg0 : i32
    %run_scoped3A = arith.constant 0 : i32
    "tpu.region"() ({
      %run_scoped3A_41 = tpu.sem_alloc : memref<!tpu.dma_semaphore, #tpu.memory_space<semaphore_mem>>
      %dma_start3A_42 = arith.constant 0 : i32
      %dma_start3A_43 = arith.constant 0 : i32
      %dma_start3A_44 = tpu.memref_slice %arg3[%run_scoped3A, %add3A, %dma_start3A_42, %dma_start3A_43] : memref<2x32x2x128xi32, #tpu.memory_space<hbm>> -> memref<1x1x2x128xi32, #tpu.memory_space<hbm>>
      %dma_start3A_45 = tpu.memref_squeeze %dma_start3A_44 : memref<1x1x2x128xi32, #tpu.memory_space<hbm>> -> memref<2x128xi32, #tpu.memory_space<hbm>>
      %dma_start3A_46 = arith.constant 0 : i32
      %dma_start3A_47 = arith.constant 0 : i32
      %dma_start3A_48 = tpu.memref_slice %arg3[%run_scoped3A, %add3A, %dma_start3A_46, %dma_start3A_47] : memref<2x32x2x128xi32, #tpu.memory_space<hbm>> -> memref<1x1x2x128xi32, #tpu.memory_space<hbm>>
      %dma_start3A_49 = tpu.memref_squeeze %dma_start3A_48 : memref<1x1x2x128xi32, #tpu.memory_space<hbm>> -> memref<2x128xi32, #tpu.memory_space<hbm>>
      tpu.enqueue_dma source(%dma_start3A_49 : memref<2x128xi32, #tpu.memory_space<hbm>>) target(%arg5 : memref<2x128xi32, #tpu.memory_space<vmem>>) target_semaphore(%run_scoped3A_41 : memref<!tpu.dma_semaphore, #tpu.memory_space<semaphore_mem>>)
      %dma_wait3A_50 = arith.constant 0 : i32
      %dma_wait3A_51 = arith.constant 0 : i32
      %dma_wait3A_52 = tpu.memref_slice %arg3[%run_scoped3A, %add3A, %dma_wait3A_50, %dma_wait3A_51] : memref<2x32x2x128xi32, #tpu.memory_space<hbm>> -> memref<1x1x2x128xi32, #tpu.memory_space<hbm>>
      %dma_wait3A_53 = tpu.memref_squeeze %dma_wait3A_52 : memref<1x1x2x128xi32, #tpu.memory_space<hbm>> -> memref<2x128xi32, #tpu.memory_space<hbm>>
      %dma_wait3A_54 = arith.constant 0 : i32
      %dma_wait3A_55 = arith.constant 0 : i32
      %dma_wait3A_56 = tpu.memref_slice %arg3[%run_scoped3A, %add3A, %dma_wait3A_54, %dma_wait3A_55] : memref<2x32x2x128xi32, #tpu.memory_space<hbm>> -> memref<1x1x2x128xi32, #tpu.memory_space<hbm>>
      %dma_wait3A_57 = tpu.memref_squeeze %dma_wait3A_56 : memref<1x1x2x128xi32, #tpu.memory_space<hbm>> -> memref<2x128xi32, #tpu.memory_space<hbm>>
      tpu.wait_dma2 semaphore(%run_scoped3A_41 : memref<!tpu.dma_semaphore, #tpu.memory_space<semaphore_mem>>) src(%dma_wait3A_57 : memref<2x128xi32, #tpu.memory_space<hbm>>) dst(%arg5 : memref<2x128xi32, #tpu.memory_space<vmem>>)
      tpu.yield
    }) : () -> ()
    %dma_start3A = arith.constant 0 : i32
    %dma_start3A_1 = arith.constant 0 : i32
    %dma_start3A_2 = arith.constant 0 : i32
    %dma_start3A_3 = tpu.memref_slice %arg6[%dma_start3A_1, %dma_start3A_2] : memref<256x128xf32, #tpu.memory_space<vmem>> -> memref<128x128xf32, #tpu.memory_space<vmem>>
    %dma_start3A_4 = arith.constant 0 : i32
    %dma_start3A_5 = tpu.memref_slice %arg5[%dma_start3A, %dma_start3A_4] : memref<2x128xi32, #tpu.memory_space<vmem>> -> memref<1x128xi32, #tpu.memory_space<vmem>>
    %dma_start3A_6 = tpu.memref_squeeze %dma_start3A_5 : memref<1x128xi32, #tpu.memory_space<vmem>> -> memref<128xi32, #tpu.memory_space<vmem>>
    %dma_start3A_7 = arith.constant 0 : i32
    %dma_start3A_8 = arith.constant 0 : i32
    %dma_start3A_9 = tpu.memref_slice %arg2[%dma_start3A_7, %dma_start3A_8] : memref<100000x128xf32, #tpu.memory_space<hbm>> -> memref<100000x128xf32, #tpu.memory_space<hbm>>
    tpu.enqueue_indirect_dma source(%dma_start3A_9 : memref<100000x128xf32, #tpu.memory_space<hbm>>) target(%dma_start3A_3 : memref<128x128xf32, #tpu.memory_space<vmem>>) offsets(%dma_start3A_6 : memref<128xi32, #tpu.memory_space<vmem>>) semaphore(%arg7 : memref<!tpu.dma_semaphore, #tpu.memory_space<semaphore_mem>>)
    %dma_start3A_10 = arith.constant 1 : i32
    %dma_start3A_11 = arith.constant 128 : i32
    %dma_start3A_12 = arith.constant 0 : i32
    %dma_start3A_13 = tpu.memref_slice %arg6[%dma_start3A_11, %dma_start3A_12] : memref<256x128xf32, #tpu.memory_space<vmem>> -> memref<128x128xf32, #tpu.memory_space<vmem>>
    %dma_start3A_14 = arith.constant 0 : i32
    %dma_start3A_15 = tpu.memref_slice %arg5[%dma_start3A_10, %dma_start3A_14] : memref<2x128xi32, #tpu.memory_space<vmem>> -> memref<1x128xi32, #tpu.memory_space<vmem>>
    %dma_start3A_16 = tpu.memref_squeeze %dma_start3A_15 : memref<1x128xi32, #tpu.memory_space<vmem>> -> memref<128xi32, #tpu.memory_space<vmem>>
    %dma_start3A_17 = arith.constant 0 : i32
    %dma_start3A_18 = arith.constant 0 : i32
    %dma_start3A_19 = tpu.memref_slice %arg2[%dma_start3A_17, %dma_start3A_18] : memref<100000x128xf32, #tpu.memory_space<hbm>> -> memref<100000x128xf32, #tpu.memory_space<hbm>>
    tpu.enqueue_indirect_dma source(%dma_start3A_19 : memref<100000x128xf32, #tpu.memory_space<hbm>>) target(%dma_start3A_13 : memref<128x128xf32, #tpu.memory_space<vmem>>) offsets(%dma_start3A_16 : memref<128xi32, #tpu.memory_space<vmem>>) semaphore(%arg7 : memref<!tpu.dma_semaphore, #tpu.memory_space<semaphore_mem>>)
    %dma_wait3A = arith.constant 0 : i32
    %dma_wait3A_20 = arith.constant 0 : i32
    %dma_wait3A_21 = arith.constant 0 : i32
    %dma_wait3A_22 = tpu.memref_slice %arg6[%dma_wait3A_20, %dma_wait3A_21] : memref<256x128xf32, #tpu.memory_space<vmem>> -> memref<128x128xf32, #tpu.memory_space<vmem>>
    %dma_wait3A_23 = arith.constant 0 : i32
    %dma_wait3A_24 = tpu.memref_slice %arg5[%dma_wait3A, %dma_wait3A_23] : memref<2x128xi32, #tpu.memory_space<vmem>> -> memref<1x128xi32, #tpu.memory_space<vmem>>
    %dma_wait3A_25 = tpu.memref_squeeze %dma_wait3A_24 : memref<1x128xi32, #tpu.memory_space<vmem>> -> memref<128xi32, #tpu.memory_space<vmem>>
    %dma_wait3A_26 = arith.constant 0 : i32
    %dma_wait3A_27 = arith.constant 0 : i32
    %dma_wait3A_28 = tpu.memref_slice %arg2[%dma_wait3A_26, %dma_wait3A_27] : memref<100000x128xf32, #tpu.memory_space<hbm>> -> memref<100000x128xf32, #tpu.memory_space<hbm>>
    tpu.wait_indirect_dma semaphore(%arg7 : memref<!tpu.dma_semaphore, #tpu.memory_space<semaphore_mem>>) src(%dma_wait3A_28 : memref<100000x128xf32, #tpu.memory_space<hbm>>) dst(%dma_wait3A_22 : memref<128x128xf32, #tpu.memory_space<vmem>>)
    %dma_wait3A_29 = arith.constant 1 : i32
    %dma_wait3A_30 = arith.constant 128 : i32
    %dma_wait3A_31 = arith.constant 0 : i32
    %dma_wait3A_32 = tpu.memref_slice %arg6[%dma_wait3A_30, %dma_wait3A_31] : memref<256x128xf32, #tpu.memory_space<vmem>> -> memref<128x128xf32, #tpu.memory_space<vmem>>
    %dma_wait3A_33 = arith.constant 0 : i32
    %dma_wait3A_34 = tpu.memref_slice %arg5[%dma_wait3A_29, %dma_wait3A_33] : memref<2x128xi32, #tpu.memory_space<vmem>> -> memref<1x128xi32, #tpu.memory_space<vmem>>
    %dma_wait3A_35 = tpu.memref_squeeze %dma_wait3A_34 : memref<1x128xi32, #tpu.memory_space<vmem>> -> memref<128xi32, #tpu.memory_space<vmem>>
    %dma_wait3A_36 = arith.constant 0 : i32
    %dma_wait3A_37 = arith.constant 0 : i32
    %dma_wait3A_38 = tpu.memref_slice %arg2[%dma_wait3A_36, %dma_wait3A_37] : memref<100000x128xf32, #tpu.memory_space<hbm>> -> memref<100000x128xf32, #tpu.memory_space<hbm>>
    tpu.wait_indirect_dma semaphore(%arg7 : memref<!tpu.dma_semaphore, #tpu.memory_space<semaphore_mem>>) src(%dma_wait3A_38 : memref<100000x128xf32, #tpu.memory_space<hbm>>) dst(%dma_wait3A_32 : memref<128x128xf32, #tpu.memory_space<vmem>>)
    %mul3A_39 = arith.constant 256 : i32
    %mul3A_40 = arith.muli %add3A, %mul3A_39 : i32
    "tpu.region"() ({
      %run_scoped3A_41 = tpu.sem_alloc : memref<!tpu.dma_semaphore, #tpu.memory_space<semaphore_mem>>
      %dma_start3A_42 = arith.constant 0 : i32
      %dma_start3A_43 = tpu.memref_slice %arg4[%mul3A_40, %dma_start3A_42] : memref<8192x128xf32, #tpu.memory_space<hbm>> -> memref<256x128xf32, #tpu.memory_space<hbm>>
      %dma_start3A_44 = arith.constant 0 : i32
      %dma_start3A_45 = tpu.memref_slice %arg4[%mul3A_40, %dma_start3A_44] : memref<8192x128xf32, #tpu.memory_space<hbm>> -> memref<256x128xf32, #tpu.memory_space<hbm>>
      tpu.enqueue_dma source(%arg6 : memref<256x128xf32, #tpu.memory_space<vmem>>) target(%dma_start3A_45 : memref<256x128xf32, #tpu.memory_space<hbm>>) target_semaphore(%run_scoped3A_41 : memref<!tpu.dma_semaphore, #tpu.memory_space<semaphore_mem>>)
      %dma_wait3A_46 = arith.constant 0 : i32
      %dma_wait3A_47 = tpu.memref_slice %arg4[%mul3A_40, %dma_wait3A_46] : memref<8192x128xf32, #tpu.memory_space<hbm>> -> memref<256x128xf32, #tpu.memory_space<hbm>>
      %dma_wait3A_48 = arith.constant 0 : i32
      %dma_wait3A_49 = tpu.memref_slice %arg4[%mul3A_40, %dma_wait3A_48] : memref<8192x128xf32, #tpu.memory_space<hbm>> -> memref<256x128xf32, #tpu.memory_space<hbm>>
      tpu.wait_dma2 semaphore(%run_scoped3A_41 : memref<!tpu.dma_semaphore, #tpu.memory_space<semaphore_mem>>) src(%arg6 : memref<256x128xf32, #tpu.memory_space<vmem>>) dst(%dma_wait3A_49 : memref<256x128xf32, #tpu.memory_space<hbm>>)
      tpu.yield
    }) : () -> ()
    return
  }
}

module attributes {stable_mosaic.version = 14 : i64} {
  func.func @body(%arg0: i32, %arg1: memref<4096x128xf32, #tpu.memory_space<vmem>>, %arg2: memref<1x1x4096xf32, #tpu.memory_space<vmem>>, %arg3: memref<128x128xf32, #tpu.memory_space<vmem>>, %arg4: memref<128xf32, #tpu.memory_space<vmem>>, %arg5: memref<128x128xf32, #tpu.memory_space<vmem>>, %arg6: memref<128xf32, #tpu.memory_space<vmem>>, %arg7: memref<128x128xf32, #tpu.memory_space<vmem>>, %arg8: memref<128xf32, #tpu.memory_space<vmem>>, %arg9: memref<128x128xf32, #tpu.memory_space<vmem>>, %arg10: memref<128xf32, #tpu.memory_space<vmem>>, %arg11: memref<1x1x128xf32, #tpu.memory_space<vmem>>, %arg12: memref<128xf32, #tpu.memory_space<vmem>>, %arg13: memref<128xf32, #tpu.memory_space<vmem>>, %arg14: memref<16384x3x128xf32, #tpu.memory_space<any>>, %arg15: memref<4096x128xf32, #tpu.memory_space<vmem>>, %arg16: memref<2x4096x128xf32, #tpu.memory_space<vmem>>, %arg17: memref<2x4096x128xf32, #tpu.memory_space<vmem>>, %arg18: memref<3x2x!tpu.dma_semaphore, #tpu.memory_space<semaphore_mem>>) attributes {dimension_semantics = [#tpu.dimension_semantics<arbitrary>], iteration_bounds = array<i64: 2>, scalar_prefetch = 0 : i64, scratch_operands = 4 : i64, tpu.core_type = #tpu.core_type<tc>, window_params = [{transform_indices = @transform_0, window_bounds = array<i64: 4096, 128>}, {transform_indices = @transform_1, window_bounds = array<i64: 1, 1, 4096>}, {pipeline_mode = #tpu.pipeline_mode<synchronous>, transform_indices = @transform_2, window_bounds = array<i64: 128, 128>}, {pipeline_mode = #tpu.pipeline_mode<synchronous>, transform_indices = @transform_3, window_bounds = array<i64: 128>}, {pipeline_mode = #tpu.pipeline_mode<synchronous>, transform_indices = @transform_4, window_bounds = array<i64: 128, 128>}, {pipeline_mode = #tpu.pipeline_mode<synchronous>, transform_indices = @transform_5, window_bounds = array<i64: 128>}, {pipeline_mode = #tpu.pipeline_mode<synchronous>, transform_indices = @transform_6, window_bounds = array<i64: 128, 128>}, {pipeline_mode = #tpu.pipeline_mode<synchronous>, transform_indices = @transform_7, window_bounds = array<i64: 128>}, {pipeline_mode = #tpu.pipeline_mode<synchronous>, transform_indices = @transform_8, window_bounds = array<i64: 128, 128>}, {pipeline_mode = #tpu.pipeline_mode<synchronous>, transform_indices = @transform_9, window_bounds = array<i64: 128>}, {pipeline_mode = #tpu.pipeline_mode<synchronous>, transform_indices = @transform_10, window_bounds = array<i64: 1, 1, 128>}, {pipeline_mode = #tpu.pipeline_mode<synchronous>, transform_indices = @transform_11, window_bounds = array<i64: 128>}, {pipeline_mode = #tpu.pipeline_mode<synchronous>, transform_indices = @transform_12, window_bounds = array<i64: 128>}, {}]} {
    %rem3A = arith.constant 2 : i32
    %rem3A_0 = arith.remsi %arg0, %rem3A : i32
    %get3A = arith.constant 0 : index
    %get3A_1 = vector.load %arg12[%get3A] : memref<128xf32, #tpu.memory_space<vmem>>, vector<128xf32>
    %reshape3A = vector.shape_cast %get3A_1 : vector<128xf32> to vector<1x128xf32>
    %get3A_2 = arith.constant 0 : index
    %get3A_3 = vector.load %arg13[%get3A_2] : memref<128xf32, #tpu.memory_space<vmem>>, vector<128xf32>
    %reshape3A_4 = vector.shape_cast %get3A_3 : vector<128xf32> to vector<1x128xf32>
    %ge3A = arith.constant 2 : i32
    %ge3A_5 = arith.cmpi sge, %arg0, %ge3A : i32
    %convert_element_type3A = arith.extui %ge3A_5 : i1 to i32
    %cond3A = arith.constant 0 : i32
    %cond3A_6 = arith.cmpi ne, %convert_element_type3A, %cond3A : i32
    scf.if %cond3A_6 {
      %sub3A_221 = arith.constant 2 : i32
      %sub3A_222 = arith.subi %arg0, %sub3A_221 : i32
      %mul3A_223 = arith.constant 4096 : i32
      %mul3A_224 = arith.muli %sub3A_222, %mul3A_223 : i32
      %add3A_225 = arith.constant 0 : i32
      %add3A_226 = arith.addi %add3A_225, %mul3A_224 : i32
      %dma_wait3A = arith.constant 0 : i32
      %dma_wait3A_227 = arith.constant 0 : i32
      %dma_wait3A_228 = tpu.memref_slice %arg18[%dma_wait3A_227, %rem3A_0] : memref<3x2x!tpu.dma_semaphore, #tpu.memory_space<semaphore_mem>> -> memref<1x1x!tpu.dma_semaphore, #tpu.memory_space<semaphore_mem>>
      %dma_wait3A_229 = tpu.memref_squeeze %dma_wait3A_228 : memref<1x1x!tpu.dma_semaphore, #tpu.memory_space<semaphore_mem>> -> memref<!tpu.dma_semaphore, #tpu.memory_space<semaphore_mem>>
      %dma_wait3A_230 = arith.constant 0 : i32
      %dma_wait3A_231 = tpu.memref_slice %arg14[%add3A_226, %dma_wait3A, %dma_wait3A_230] : memref<16384x3x128xf32, #tpu.memory_space<any>> -> memref<4096x1x128xf32, #tpu.memory_space<any>>
      %dma_wait3A_232 = tpu.memref_squeeze %dma_wait3A_231 : memref<4096x1x128xf32, #tpu.memory_space<any>> -> memref<4096x128xf32, #tpu.memory_space<any>>
      tpu.wait_dma2 semaphore(%dma_wait3A_229 : memref<!tpu.dma_semaphore, #tpu.memory_space<semaphore_mem>>) src(%arg15 : memref<4096x128xf32, #tpu.memory_space<vmem>>) dst(%dma_wait3A_232 : memref<4096x128xf32, #tpu.memory_space<any>>)
      %mul3A_233 = arith.constant 4096 : i32
      %mul3A_234 = arith.muli %sub3A_222, %mul3A_233 : i32
      %add3A_235 = arith.constant 0 : i32
      %add3A_236 = arith.addi %add3A_235, %mul3A_234 : i32
      %dma_wait3A_237 = arith.constant 1 : i32
      %dma_wait3A_238 = arith.constant 1 : i32
      %dma_wait3A_239 = tpu.memref_slice %arg18[%dma_wait3A_238, %rem3A_0] : memref<3x2x!tpu.dma_semaphore, #tpu.memory_space<semaphore_mem>> -> memref<1x1x!tpu.dma_semaphore, #tpu.memory_space<semaphore_mem>>
      %dma_wait3A_240 = tpu.memref_squeeze %dma_wait3A_239 : memref<1x1x!tpu.dma_semaphore, #tpu.memory_space<semaphore_mem>> -> memref<!tpu.dma_semaphore, #tpu.memory_space<semaphore_mem>>
      %dma_wait3A_241 = arith.constant 0 : i32
      %dma_wait3A_242 = tpu.memref_slice %arg14[%add3A_236, %dma_wait3A_237, %dma_wait3A_241] : memref<16384x3x128xf32, #tpu.memory_space<any>> -> memref<4096x1x128xf32, #tpu.memory_space<any>>
      %dma_wait3A_243 = tpu.memref_squeeze %dma_wait3A_242 : memref<4096x1x128xf32, #tpu.memory_space<any>> -> memref<4096x128xf32, #tpu.memory_space<any>>
      %dma_wait3A_244 = arith.constant 0 : i32
      %dma_wait3A_245 = arith.constant 0 : i32
      %dma_wait3A_246 = tpu.memref_slice %arg16[%rem3A_0, %dma_wait3A_244, %dma_wait3A_245] : memref<2x4096x128xf32, #tpu.memory_space<vmem>> -> memref<1x4096x128xf32, #tpu.memory_space<vmem>>
      %dma_wait3A_247 = tpu.memref_squeeze %dma_wait3A_246 : memref<1x4096x128xf32, #tpu.memory_space<vmem>> -> memref<4096x128xf32, #tpu.memory_space<vmem>>
      tpu.wait_dma2 semaphore(%dma_wait3A_240 : memref<!tpu.dma_semaphore, #tpu.memory_space<semaphore_mem>>) src(%dma_wait3A_247 : memref<4096x128xf32, #tpu.memory_space<vmem>>) dst(%dma_wait3A_243 : memref<4096x128xf32, #tpu.memory_space<any>>)
      %mul3A_248 = arith.constant 4096 : i32
      %mul3A_249 = arith.muli %sub3A_222, %mul3A_248 : i32
      %add3A_250 = arith.constant 0 : i32
      %add3A_251 = arith.addi %add3A_250, %mul3A_249 : i32
      %dma_wait3A_252 = arith.constant 2 : i32
      %dma_wait3A_253 = arith.constant 2 : i32
      %dma_wait3A_254 = tpu.memref_slice %arg18[%dma_wait3A_253, %rem3A_0] : memref<3x2x!tpu.dma_semaphore, #tpu.memory_space<semaphore_mem>> -> memref<1x1x!tpu.dma_semaphore, #tpu.memory_space<semaphore_mem>>
      %dma_wait3A_255 = tpu.memref_squeeze %dma_wait3A_254 : memref<1x1x!tpu.dma_semaphore, #tpu.memory_space<semaphore_mem>> -> memref<!tpu.dma_semaphore, #tpu.memory_space<semaphore_mem>>
      %dma_wait3A_256 = arith.constant 0 : i32
      %dma_wait3A_257 = tpu.memref_slice %arg14[%add3A_251, %dma_wait3A_252, %dma_wait3A_256] : memref<16384x3x128xf32, #tpu.memory_space<any>> -> memref<4096x1x128xf32, #tpu.memory_space<any>>
      %dma_wait3A_258 = tpu.memref_squeeze %dma_wait3A_257 : memref<4096x1x128xf32, #tpu.memory_space<any>> -> memref<4096x128xf32, #tpu.memory_space<any>>
      %dma_wait3A_259 = arith.constant 0 : i32
      %dma_wait3A_260 = arith.constant 0 : i32
      %dma_wait3A_261 = tpu.memref_slice %arg17[%rem3A_0, %dma_wait3A_259, %dma_wait3A_260] : memref<2x4096x128xf32, #tpu.memory_space<vmem>> -> memref<1x4096x128xf32, #tpu.memory_space<vmem>>
      %dma_wait3A_262 = tpu.memref_squeeze %dma_wait3A_261 : memref<1x4096x128xf32, #tpu.memory_space<vmem>> -> memref<4096x128xf32, #tpu.memory_space<vmem>>
      tpu.wait_dma2 semaphore(%dma_wait3A_255 : memref<!tpu.dma_semaphore, #tpu.memory_space<semaphore_mem>>) src(%dma_wait3A_262 : memref<4096x128xf32, #tpu.memory_space<vmem>>) dst(%dma_wait3A_258 : memref<4096x128xf32, #tpu.memory_space<any>>)
    } else {
    }
    %eq3A = arith.constant 0 : i32
    %eq3A_7 = arith.cmpi eq, %arg0, %eq3A : i32
    %convert_element_type3A_8 = arith.extui %eq3A_7 : i1 to i32
    %cond3A_9 = arith.constant 0 : i32
    %cond3A_10 = arith.cmpi ne, %convert_element_type3A_8, %cond3A_9 : i32
    scf.if %cond3A_10 {
      %get3A_221 = arith.constant 0 : index
      %get3A_222 = arith.constant 0 : index
      %get3A_223 = arith.constant 0 : index
      %get3A_224 = vector.load %arg11[%get3A_221, %get3A_222, %get3A_223] : memref<1x1x128xf32, #tpu.memory_space<vmem>>, vector<1x1x128xf32>
      %reshape3A_225 = vector.shape_cast %get3A_224 : vector<1x1x128xf32> to vector<1x128xf32>
      %reduce_sum3A_226 = arith.constant dense<0.000000e+00> : vector<1xf32>
      %reduce_sum3A_227 = vector.multi_reduction <add>, %reshape3A_225, %reduce_sum3A_226 [1] : vector<1x128xf32> to vector<1xf32>
      %broadcast_in_dim3A_228 = vector.shape_cast %reduce_sum3A_227 : vector<1xf32> to vector<1x1xf32>
      %div3A_229 = arith.constant 1.280000e+02 : f32
      %div3A_230 = vector.broadcast %div3A_229 : f32 to vector<1x1xf32>
      %div3A_231 = arith.divf %broadcast_in_dim3A_228, %div3A_230 : vector<1x1xf32>
      %sub3A_232 = vector.broadcast %div3A_231 : vector<1x1xf32> to vector<1x128xf32>
      %sub3A_233 = arith.subf %reshape3A_225, %sub3A_232 : vector<1x128xf32>
      %mul3A_234 = arith.mulf %sub3A_233, %sub3A_233 : vector<1x128xf32>
      %reduce_sum3A_235 = arith.constant dense<0.000000e+00> : vector<1xf32>
      %reduce_sum3A_236 = vector.multi_reduction <add>, %mul3A_234, %reduce_sum3A_235 [1] : vector<1x128xf32> to vector<1xf32>
      %broadcast_in_dim3A_237 = vector.shape_cast %reduce_sum3A_236 : vector<1xf32> to vector<1x1xf32>
      %div3A_238 = arith.constant 1.280000e+02 : f32
      %div3A_239 = vector.broadcast %div3A_238 : f32 to vector<1x1xf32>
      %div3A_240 = arith.divf %broadcast_in_dim3A_237, %div3A_239 : vector<1x1xf32>
      %add3A_241 = arith.constant 9.99999974E-6 : f32
      %add3A_242 = vector.broadcast %add3A_241 : f32 to vector<1x1xf32>
      %add3A_243 = arith.addf %div3A_240, %add3A_242 : vector<1x1xf32>
      %rsqrt3A_244 = math.rsqrt %add3A_243 : vector<1x1xf32>
      %mul3A_245 = vector.broadcast %rsqrt3A_244 : vector<1x1xf32> to vector<1x128xf32>
      %mul3A_246 = arith.mulf %sub3A_233, %mul3A_245 : vector<1x128xf32>
      %mul3A_247 = arith.mulf %mul3A_246, %reshape3A : vector<1x128xf32>
      %add3A_248 = arith.addf %mul3A_247, %reshape3A_4 : vector<1x128xf32>
      %broadcast_in_dim3A_249 = vector.shape_cast %add3A_248 : vector<1x128xf32> to vector<1x128xf32>
      %broadcast_in_dim3A_250 = vector.broadcast %broadcast_in_dim3A_249 : vector<1x128xf32> to vector<4096x128xf32>
      %swap3A_251 = arith.constant 0 : index
      %swap3A_252 = arith.constant 0 : index
      %swap3A_253 = vector.load %arg15[%swap3A_251, %swap3A_252] : memref<4096x128xf32, #tpu.memory_space<vmem>>, vector<4096x128xf32>
      tpu.vector_store %arg15[%swap3A_251, %swap3A_252], %broadcast_in_dim3A_250 {strides = array<i32>} : memref<4096x128xf32, #tpu.memory_space<vmem>>, vector<4096x128xf32>,
    } else {
    }
    %get3A_11 = arith.constant 0 : index
    %get3A_12 = arith.constant 0 : index
    %get3A_13 = vector.load %arg1[%get3A_11, %get3A_12] : memref<4096x128xf32, #tpu.memory_space<vmem>>, vector<4096x128xf32>
    %get3A_14 = arith.constant 0 : index
    %get3A_15 = arith.constant 0 : index
    %get3A_16 = vector.load %arg3[%get3A_14, %get3A_15] : memref<128x128xf32, #tpu.memory_space<vmem>>, vector<128x128xf32>
    %dot_general3A = arith.constant dense<0.000000e+00> : vector<4096x128xf32>
    %dot_general3A_17 = tpu.matmul %get3A_13, %get3A_16, %dot_general3A {dimension_numbers = #tpu.dot_dimension_numbers<[1], [0], [0], [1], [0, 0, 1, 1], [], []>, transpose_lhs_hint = false} : vector<4096x128xf32>, vector<128x128xf32>, vector<4096x128xf32> -> vector<4096x128xf32>
    %get3A_18 = arith.constant 0 : index
    %get3A_19 = vector.load %arg4[%get3A_18] : memref<128xf32, #tpu.memory_space<vmem>>, vector<128xf32>
    %reshape3A_20 = vector.shape_cast %get3A_19 : vector<128xf32> to vector<1x128xf32>
    %add3A = vector.broadcast %reshape3A_20 : vector<1x128xf32> to vector<4096x128xf32>
    %add3A_21 = arith.addf %dot_general3A_17, %add3A : vector<4096x128xf32>
    %logistic3A = arith.negf %add3A_21 : vector<4096x128xf32>
    %logistic3A_22 = math.exp %logistic3A : vector<4096x128xf32>
    %logistic3A_23 = arith.constant 1.000000e+00 : f32
    %logistic3A_24 = vector.broadcast %logistic3A_23 : f32 to vector<4096x128xf32>
    %logistic3A_25 = arith.addf %logistic3A_24, %logistic3A_22 : vector<4096x128xf32>
    %logistic3A_26 = arith.divf %logistic3A_24, %logistic3A_25 : vector<4096x128xf32>
    %mul3A = arith.mulf %add3A_21, %logistic3A_26 : vector<4096x128xf32>
    %get3A_27 = arith.constant 0 : index
    %get3A_28 = arith.constant 0 : index
    %get3A_29 = vector.load %arg5[%get3A_27, %get3A_28] : memref<128x128xf32, #tpu.memory_space<vmem>>, vector<128x128xf32>
    %dot_general3A_30 = arith.constant dense<0.000000e+00> : vector<4096x128xf32>
    %dot_general3A_31 = tpu.matmul %mul3A, %get3A_29, %dot_general3A_30 {dimension_numbers = #tpu.dot_dimension_numbers<[1], [0], [0], [1], [0, 0, 1, 1], [], []>, transpose_lhs_hint = false} : vector<4096x128xf32>, vector<128x128xf32>, vector<4096x128xf32> -> vector<4096x128xf32>
    %get3A_32 = arith.constant 0 : index
    %get3A_33 = vector.load %arg6[%get3A_32] : memref<128xf32, #tpu.memory_space<vmem>>, vector<128xf32>
    %reshape3A_34 = vector.shape_cast %get3A_33 : vector<128xf32> to vector<1x128xf32>
    %add3A_35 = vector.broadcast %reshape3A_34 : vector<1x128xf32> to vector<4096x128xf32>
    %add3A_36 = arith.addf %dot_general3A_31, %add3A_35 : vector<4096x128xf32>
    %reduce_sum3A = arith.constant dense<0.000000e+00> : vector<4096xf32>
    %reduce_sum3A_37 = vector.multi_reduction <add>, %add3A_36, %reduce_sum3A [1] : vector<4096x128xf32> to vector<4096xf32>
    %broadcast_in_dim3A = vector.shape_cast %reduce_sum3A_37 : vector<4096xf32> to vector<4096x1xf32>
    %div3A = arith.constant 1.280000e+02 : f32
    %div3A_38 = vector.broadcast %div3A : f32 to vector<4096x1xf32>
    %div3A_39 = arith.divf %broadcast_in_dim3A, %div3A_38 : vector<4096x1xf32>
    %sub3A = vector.broadcast %div3A_39 : vector<4096x1xf32> to vector<4096x128xf32>
    %sub3A_40 = arith.subf %add3A_36, %sub3A : vector<4096x128xf32>
    %mul3A_41 = arith.mulf %sub3A_40, %sub3A_40 : vector<4096x128xf32>
    %reduce_sum3A_42 = arith.constant dense<0.000000e+00> : vector<4096xf32>
    %reduce_sum3A_43 = vector.multi_reduction <add>, %mul3A_41, %reduce_sum3A_42 [1] : vector<4096x128xf32> to vector<4096xf32>
    %broadcast_in_dim3A_44 = vector.shape_cast %reduce_sum3A_43 : vector<4096xf32> to vector<4096x1xf32>
    %div3A_45 = arith.constant 1.280000e+02 : f32
    %div3A_46 = vector.broadcast %div3A_45 : f32 to vector<4096x1xf32>
    %div3A_47 = arith.divf %broadcast_in_dim3A_44, %div3A_46 : vector<4096x1xf32>
    %add3A_48 = arith.constant 9.99999974E-6 : f32
    %add3A_49 = vector.broadcast %add3A_48 : f32 to vector<4096x1xf32>
    %add3A_50 = arith.addf %div3A_47, %add3A_49 : vector<4096x1xf32>
    %rsqrt3A = math.rsqrt %add3A_50 : vector<4096x1xf32>
    %mul3A_51 = vector.broadcast %rsqrt3A : vector<4096x1xf32> to vector<4096x128xf32>
    %mul3A_52 = arith.mulf %sub3A_40, %mul3A_51 : vector<4096x128xf32>
    %mul3A_53 = vector.broadcast %reshape3A : vector<1x128xf32> to vector<4096x128xf32>
    %mul3A_54 = arith.mulf %mul3A_52, %mul3A_53 : vector<4096x128xf32>
    %add3A_55 = vector.broadcast %reshape3A_4 : vector<1x128xf32> to vector<4096x128xf32>
    %add3A_56 = arith.addf %mul3A_54, %add3A_55 : vector<4096x128xf32>
    %swap3A = arith.index_cast %rem3A_0 : i32 to index
    %swap3A_57 = arith.constant 0 : index
    %swap3A_58 = arith.constant 0 : index
    %swap3A_59 = vector.load %arg16[%swap3A, %swap3A_57, %swap3A_58] : memref<2x4096x128xf32, #tpu.memory_space<vmem>>, vector<1x4096x128xf32>
    %swap3A_60 = vector.shape_cast %swap3A_59 : vector<1x4096x128xf32> to vector<4096x128xf32>
    %swap3A_61 = vector.shape_cast %add3A_56 : vector<4096x128xf32> to vector<1x4096x128xf32>
    tpu.vector_store %arg16[%swap3A, %swap3A_57, %swap3A_58], %swap3A_61 {strides = array<i32>} : memref<2x4096x128xf32, #tpu.memory_space<vmem>>, vector<1x4096x128xf32>,
    %get3A_62 = arith.constant 0 : index
    %get3A_63 = arith.constant 0 : index
    %get3A_64 = arith.constant 0 : index
    %get3A_65 = vector.load %arg2[%get3A_62, %get3A_63, %get3A_64] : memref<1x1x4096xf32, #tpu.memory_space<vmem>>, vector<1x1x4096xf32>
    %reshape3A_66 = vector.shape_cast %get3A_65 : vector<1x1x4096xf32> to vector<1x4096xf32>
    %jit3A = arith.constant 0.000000e+00 : f32
    %jit3A_67 = arith.constant 2.500000e+02 : f32
    %max3A = vector.broadcast %jit3A : f32 to vector<1x4096xf32>
    %max3A_68 = arith.maximumf %max3A, %reshape3A_66 : vector<1x4096xf32>
    %min3A = vector.broadcast %jit3A_67 : f32 to vector<1x4096xf32>
    %min3A_69 = arith.minimumf %min3A, %max3A_68 : vector<1x4096xf32>
    %mul3A_70 = arith.constant 4.000000e-03 : f32
    %mul3A_71 = vector.broadcast %mul3A_70 : f32 to vector<1x4096xf32>
    %mul3A_72 = arith.mulf %min3A_69, %mul3A_71 : vector<1x4096xf32>
    %iota3A = tpu.iota {dimensions = array<i32: 0>} : vector<64x1xi32>
    %convert_element_type3A_73 = arith.sitofp %iota3A : vector<64x1xi32> to vector<64x1xf32>
    %mul3A_74 = arith.constant 1.562500e-02 : f32
    %mul3A_75 = vector.broadcast %mul3A_74 : f32 to vector<64x1xf32>
    %mul3A_76 = arith.mulf %convert_element_type3A_73, %mul3A_75 : vector<64x1xf32>
    %mul3A_77 = arith.constant -9.21034049 : f32
    %mul3A_78 = vector.broadcast %mul3A_77 : f32 to vector<64x1xf32>
    %mul3A_79 = arith.mulf %mul3A_78, %mul3A_76 : vector<64x1xf32>
    %exp3A = math.exp %mul3A_79 : vector<64x1xf32>
    %mul3A_80 = vector.broadcast %exp3A : vector<64x1xf32> to vector<64x4096xf32>
    %mul3A_81 = vector.broadcast %mul3A_72 : vector<1x4096xf32> to vector<64x4096xf32>
    %mul3A_82 = arith.mulf %mul3A_80, %mul3A_81 : vector<64x4096xf32>
    %mul3A_83 = arith.mulf %mul3A_82, %mul3A_82 : vector<64x4096xf32>
    %mul3A_84 = arith.constant -1.98412701E-4 : f32
    %mul3A_85 = vector.broadcast %mul3A_84 : f32 to vector<64x4096xf32>
    %mul3A_86 = arith.mulf %mul3A_83, %mul3A_85 : vector<64x4096xf32>
    %add3A_87 = arith.constant 0.00833333377 : f32
    %add3A_88 = vector.broadcast %add3A_87 : f32 to vector<64x4096xf32>
    %add3A_89 = arith.addf %add3A_88, %mul3A_86 : vector<64x4096xf32>
    %mul3A_90 = arith.mulf %mul3A_83, %add3A_89 : vector<64x4096xf32>
    %add3A_91 = arith.constant -0.166666672 : f32
    %add3A_92 = vector.broadcast %add3A_91 : f32 to vector<64x4096xf32>
    %add3A_93 = arith.addf %add3A_92, %mul3A_90 : vector<64x4096xf32>
    %mul3A_94 = arith.mulf %mul3A_83, %add3A_93 : vector<64x4096xf32>
    %add3A_95 = arith.constant 1.000000e+00 : f32
    %add3A_96 = vector.broadcast %add3A_95 : f32 to vector<64x4096xf32>
    %add3A_97 = arith.addf %add3A_96, %mul3A_94 : vector<64x4096xf32>
    %mul3A_98 = arith.mulf %mul3A_82, %add3A_97 : vector<64x4096xf32>
    %mul3A_99 = arith.mulf %mul3A_82, %mul3A_82 : vector<64x4096xf32>
    %mul3A_100 = arith.constant 2.48015876E-5 : f32
    %mul3A_101 = vector.broadcast %mul3A_100 : f32 to vector<64x4096xf32>
    %mul3A_102 = arith.mulf %mul3A_99, %mul3A_101 : vector<64x4096xf32>
    %add3A_103 = arith.constant -0.00138888892 : f32
    %add3A_104 = vector.broadcast %add3A_103 : f32 to vector<64x4096xf32>
    %add3A_105 = arith.addf %add3A_104, %mul3A_102 : vector<64x4096xf32>
    %mul3A_106 = arith.mulf %mul3A_99, %add3A_105 : vector<64x4096xf32>
    %add3A_107 = arith.constant 0.0416666679 : f32
    %add3A_108 = vector.broadcast %add3A_107 : f32 to vector<64x4096xf32>
    %add3A_109 = arith.addf %add3A_108, %mul3A_106 : vector<64x4096xf32>
    %mul3A_110 = arith.mulf %mul3A_99, %add3A_109 : vector<64x4096xf32>
    %add3A_111 = arith.constant -5.000000e-01 : f32
    %add3A_112 = vector.broadcast %add3A_111 : f32 to vector<64x4096xf32>
    %add3A_113 = arith.addf %add3A_112, %mul3A_110 : vector<64x4096xf32>
    %mul3A_114 = arith.mulf %mul3A_99, %add3A_113 : vector<64x4096xf32>
    %add3A_115 = arith.constant 1.000000e+00 : f32
    %add3A_116 = vector.broadcast %add3A_115 : f32 to vector<64x4096xf32>
    %add3A_117 = arith.addf %add3A_116, %mul3A_114 : vector<64x4096xf32>
    %concatenate3A = tpu.concatenate %mul3A_98, %add3A_117 in 0 : vector<64x4096xf32>, vector<64x4096xf32> -> vector<128x4096xf32>
    %get3A_118 = arith.constant 0 : index
    %get3A_119 = arith.constant 0 : index
    %get3A_120 = vector.load %arg7[%get3A_118, %get3A_119] : memref<128x128xf32, #tpu.memory_space<vmem>>, vector<128x128xf32>
    %dot_general3A_121 = arith.constant dense<0.000000e+00> : vector<4096x128xf32>
    %dot_general3A_122 = tpu.matmul %concatenate3A, %get3A_120, %dot_general3A_121 {dimension_numbers = #tpu.dot_dimension_numbers<[0], [0], [1], [1], [0, 1, 1, 1], [], []>, transpose_lhs_hint = false} : vector<128x4096xf32>, vector<128x128xf32>, vector<4096x128xf32> -> vector<4096x128xf32>
    %get3A_123 = arith.constant 0 : index
    %get3A_124 = vector.load %arg8[%get3A_123] : memref<128xf32, #tpu.memory_space<vmem>>, vector<128xf32>
    %reshape3A_125 = vector.shape_cast %get3A_124 : vector<128xf32> to vector<1x128xf32>
    %add3A_126 = vector.broadcast %reshape3A_125 : vector<1x128xf32> to vector<4096x128xf32>
    %add3A_127 = arith.addf %dot_general3A_122, %add3A_126 : vector<4096x128xf32>
    %logistic3A_128 = arith.negf %add3A_127 : vector<4096x128xf32>
    %logistic3A_129 = math.exp %logistic3A_128 : vector<4096x128xf32>
    %logistic3A_130 = arith.constant 1.000000e+00 : f32
    %logistic3A_131 = vector.broadcast %logistic3A_130 : f32 to vector<4096x128xf32>
    %logistic3A_132 = arith.addf %logistic3A_131, %logistic3A_129 : vector<4096x128xf32>
    %logistic3A_133 = arith.divf %logistic3A_131, %logistic3A_132 : vector<4096x128xf32>
    %mul3A_134 = arith.mulf %add3A_127, %logistic3A_133 : vector<4096x128xf32>
    %get3A_135 = arith.constant 0 : index
    %get3A_136 = arith.constant 0 : index
    %get3A_137 = vector.load %arg9[%get3A_135, %get3A_136] : memref<128x128xf32, #tpu.memory_space<vmem>>, vector<128x128xf32>
    %dot_general3A_138 = arith.constant dense<0.000000e+00> : vector<4096x128xf32>
    %dot_general3A_139 = tpu.matmul %mul3A_134, %get3A_137, %dot_general3A_138 {dimension_numbers = #tpu.dot_dimension_numbers<[1], [0], [0], [1], [0, 0, 1, 1], [], []>, transpose_lhs_hint = false} : vector<4096x128xf32>, vector<128x128xf32>, vector<4096x128xf32> -> vector<4096x128xf32>
    %get3A_140 = arith.constant 0 : index
    %get3A_141 = vector.load %arg10[%get3A_140] : memref<128xf32, #tpu.memory_space<vmem>>, vector<128xf32>
    %reshape3A_142 = vector.shape_cast %get3A_141 : vector<128xf32> to vector<1x128xf32>
    %add3A_143 = vector.broadcast %reshape3A_142 : vector<1x128xf32> to vector<4096x128xf32>
    %add3A_144 = arith.addf %dot_general3A_139, %add3A_143 : vector<4096x128xf32>
    %reduce_sum3A_145 = arith.constant dense<0.000000e+00> : vector<4096xf32>
    %reduce_sum3A_146 = vector.multi_reduction <add>, %add3A_144, %reduce_sum3A_145 [1] : vector<4096x128xf32> to vector<4096xf32>
    %broadcast_in_dim3A_147 = vector.shape_cast %reduce_sum3A_146 : vector<4096xf32> to vector<4096x1xf32>
    %div3A_148 = arith.constant 1.280000e+02 : f32
    %div3A_149 = vector.broadcast %div3A_148 : f32 to vector<4096x1xf32>
    %div3A_150 = arith.divf %broadcast_in_dim3A_147, %div3A_149 : vector<4096x1xf32>
    %sub3A_151 = vector.broadcast %div3A_150 : vector<4096x1xf32> to vector<4096x128xf32>
    %sub3A_152 = arith.subf %add3A_144, %sub3A_151 : vector<4096x128xf32>
    %mul3A_153 = arith.mulf %sub3A_152, %sub3A_152 : vector<4096x128xf32>
    %reduce_sum3A_154 = arith.constant dense<0.000000e+00> : vector<4096xf32>
    %reduce_sum3A_155 = vector.multi_reduction <add>, %mul3A_153, %reduce_sum3A_154 [1] : vector<4096x128xf32> to vector<4096xf32>
    %broadcast_in_dim3A_156 = vector.shape_cast %reduce_sum3A_155 : vector<4096xf32> to vector<4096x1xf32>
    %div3A_157 = arith.constant 1.280000e+02 : f32
    %div3A_158 = vector.broadcast %div3A_157 : f32 to vector<4096x1xf32>
    %div3A_159 = arith.divf %broadcast_in_dim3A_156, %div3A_158 : vector<4096x1xf32>
    %add3A_160 = arith.constant 9.99999974E-6 : f32
    %add3A_161 = vector.broadcast %add3A_160 : f32 to vector<4096x1xf32>
    %add3A_162 = arith.addf %div3A_159, %add3A_161 : vector<4096x1xf32>
    %rsqrt3A_163 = math.rsqrt %add3A_162 : vector<4096x1xf32>
    %mul3A_164 = vector.broadcast %rsqrt3A_163 : vector<4096x1xf32> to vector<4096x128xf32>
    %mul3A_165 = arith.mulf %sub3A_152, %mul3A_164 : vector<4096x128xf32>
    %mul3A_166 = vector.broadcast %reshape3A : vector<1x128xf32> to vector<4096x128xf32>
    %mul3A_167 = arith.mulf %mul3A_165, %mul3A_166 : vector<4096x128xf32>
    %add3A_168 = vector.broadcast %reshape3A_4 : vector<1x128xf32> to vector<4096x128xf32>
    %add3A_169 = arith.addf %mul3A_167, %add3A_168 : vector<4096x128xf32>
    %swap3A_170 = arith.index_cast %rem3A_0 : i32 to index
    %swap3A_171 = arith.constant 0 : index
    %swap3A_172 = arith.constant 0 : index
    %swap3A_173 = vector.load %arg17[%swap3A_170, %swap3A_171, %swap3A_172] : memref<2x4096x128xf32, #tpu.memory_space<vmem>>, vector<1x4096x128xf32>
    %swap3A_174 = vector.shape_cast %swap3A_173 : vector<1x4096x128xf32> to vector<4096x128xf32>
    %swap3A_175 = vector.shape_cast %add3A_169 : vector<4096x128xf32> to vector<1x4096x128xf32>
    tpu.vector_store %arg17[%swap3A_170, %swap3A_171, %swap3A_172], %swap3A_175 {strides = array<i32>} : memref<2x4096x128xf32, #tpu.memory_space<vmem>>, vector<1x4096x128xf32>,
    %mul3A_176 = arith.constant 4096 : i32
    %mul3A_177 = arith.muli %arg0, %mul3A_176 : i32
    %add3A_178 = arith.constant 0 : i32
    %add3A_179 = arith.addi %add3A_178, %mul3A_177 : i32
    %dma_start3A = arith.constant 0 : i32
    %dma_start3A_180 = arith.constant 0 : i32
    %dma_start3A_181 = tpu.memref_slice %arg18[%dma_start3A_180, %rem3A_0] : memref<3x2x!tpu.dma_semaphore, #tpu.memory_space<semaphore_mem>> -> memref<1x1x!tpu.dma_semaphore, #tpu.memory_space<semaphore_mem>>
    %dma_start3A_182 = tpu.memref_squeeze %dma_start3A_181 : memref<1x1x!tpu.dma_semaphore, #tpu.memory_space<semaphore_mem>> -> memref<!tpu.dma_semaphore, #tpu.memory_space<semaphore_mem>>
    %dma_start3A_183 = arith.constant 0 : i32
    %dma_start3A_184 = tpu.memref_slice %arg14[%add3A_179, %dma_start3A, %dma_start3A_183] : memref<16384x3x128xf32, #tpu.memory_space<any>> -> memref<4096x1x128xf32, #tpu.memory_space<any>>
    %dma_start3A_185 = tpu.memref_squeeze %dma_start3A_184 : memref<4096x1x128xf32, #tpu.memory_space<any>> -> memref<4096x128xf32, #tpu.memory_space<any>>
    tpu.enqueue_dma source(%arg15 : memref<4096x128xf32, #tpu.memory_space<vmem>>) target(%dma_start3A_185 : memref<4096x128xf32, #tpu.memory_space<any>>) target_semaphore(%dma_start3A_182 : memref<!tpu.dma_semaphore, #tpu.memory_space<semaphore_mem>>)
    %mul3A_186 = arith.constant 4096 : i32
    %mul3A_187 = arith.muli %arg0, %mul3A_186 : i32
    %add3A_188 = arith.constant 0 : i32
    %add3A_189 = arith.addi %add3A_188, %mul3A_187 : i32
    %dma_start3A_190 = arith.constant 1 : i32
    %dma_start3A_191 = arith.constant 1 : i32
    %dma_start3A_192 = tpu.memref_slice %arg18[%dma_start3A_191, %rem3A_0] : memref<3x2x!tpu.dma_semaphore, #tpu.memory_space<semaphore_mem>> -> memref<1x1x!tpu.dma_semaphore, #tpu.memory_space<semaphore_mem>>
    %dma_start3A_193 = tpu.memref_squeeze %dma_start3A_192 : memref<1x1x!tpu.dma_semaphore, #tpu.memory_space<semaphore_mem>> -> memref<!tpu.dma_semaphore, #tpu.memory_space<semaphore_mem>>
    %dma_start3A_194 = arith.constant 0 : i32
    %dma_start3A_195 = tpu.memref_slice %arg14[%add3A_189, %dma_start3A_190, %dma_start3A_194] : memref<16384x3x128xf32, #tpu.memory_space<any>> -> memref<4096x1x128xf32, #tpu.memory_space<any>>
    %dma_start3A_196 = tpu.memref_squeeze %dma_start3A_195 : memref<4096x1x128xf32, #tpu.memory_space<any>> -> memref<4096x128xf32, #tpu.memory_space<any>>
    %dma_start3A_197 = arith.constant 0 : i32
    %dma_start3A_198 = arith.constant 0 : i32
    %dma_start3A_199 = tpu.memref_slice %arg16[%rem3A_0, %dma_start3A_197, %dma_start3A_198] : memref<2x4096x128xf32, #tpu.memory_space<vmem>> -> memref<1x4096x128xf32, #tpu.memory_space<vmem>>
    %dma_start3A_200 = tpu.memref_squeeze %dma_start3A_199 : memref<1x4096x128xf32, #tpu.memory_space<vmem>> -> memref<4096x128xf32, #tpu.memory_space<vmem>>
    tpu.enqueue_dma source(%dma_start3A_200 : memref<4096x128xf32, #tpu.memory_space<vmem>>) target(%dma_start3A_196 : memref<4096x128xf32, #tpu.memory_space<any>>) target_semaphore(%dma_start3A_193 : memref<!tpu.dma_semaphore, #tpu.memory_space<semaphore_mem>>)
    %mul3A_201 = arith.constant 4096 : i32
    %mul3A_202 = arith.muli %arg0, %mul3A_201 : i32
    %add3A_203 = arith.constant 0 : i32
    %add3A_204 = arith.addi %add3A_203, %mul3A_202 : i32
    %dma_start3A_205 = arith.constant 2 : i32
    %dma_start3A_206 = arith.constant 2 : i32
    %dma_start3A_207 = tpu.memref_slice %arg18[%dma_start3A_206, %rem3A_0] : memref<3x2x!tpu.dma_semaphore, #tpu.memory_space<semaphore_mem>> -> memref<1x1x!tpu.dma_semaphore, #tpu.memory_space<semaphore_mem>>
    %dma_start3A_208 = tpu.memref_squeeze %dma_start3A_207 : memref<1x1x!tpu.dma_semaphore, #tpu.memory_space<semaphore_mem>> -> memref<!tpu.dma_semaphore, #tpu.memory_space<semaphore_mem>>
    %dma_start3A_209 = arith.constant 0 : i32
    %dma_start3A_210 = tpu.memref_slice %arg14[%add3A_204, %dma_start3A_205, %dma_start3A_209] : memref<16384x3x128xf32, #tpu.memory_space<any>> -> memref<4096x1x128xf32, #tpu.memory_space<any>>
    %dma_start3A_211 = tpu.memref_squeeze %dma_start3A_210 : memref<4096x1x128xf32, #tpu.memory_space<any>> -> memref<4096x128xf32, #tpu.memory_space<any>>
    %dma_start3A_212 = arith.constant 0 : i32
    %dma_start3A_213 = arith.constant 0 : i32
    %dma_start3A_214 = tpu.memref_slice %arg17[%rem3A_0, %dma_start3A_212, %dma_start3A_213] : memref<2x4096x128xf32, #tpu.memory_space<vmem>> -> memref<1x4096x128xf32, #tpu.memory_space<vmem>>
    %dma_start3A_215 = tpu.memref_squeeze %dma_start3A_214 : memref<1x4096x128xf32, #tpu.memory_space<vmem>> -> memref<4096x128xf32, #tpu.memory_space<vmem>>
    tpu.enqueue_dma source(%dma_start3A_215 : memref<4096x128xf32, #tpu.memory_space<vmem>>) target(%dma_start3A_211 : memref<4096x128xf32, #tpu.memory_space<any>>) target_semaphore(%dma_start3A_208 : memref<!tpu.dma_semaphore, #tpu.memory_space<semaphore_mem>>)
    %eq3A_216 = arith.constant 1 : i32
    %eq3A_217 = arith.cmpi eq, %arg0, %eq3A_216 : i32
    %convert_element_type3A_218 = arith.extui %eq3A_217 : i1 to i32
    %cond3A_219 = arith.constant 0 : i32
    %cond3A_220 = arith.cmpi ne, %convert_element_type3A_218, %cond3A_219 : i32
    scf.if %cond3A_220 {
      %sub3A_221 = arith.constant 1 : i32
      %sub3A_222 = arith.subi %arg0, %sub3A_221 : i32
      %sub3A_223 = arith.constant 1 : i32
      %sub3A_224 = arith.subi %sub3A_223, %rem3A_0 : i32
      %mul3A_225 = arith.constant 4096 : i32
      %mul3A_226 = arith.muli %sub3A_222, %mul3A_225 : i32
      %add3A_227 = arith.constant 0 : i32
      %add3A_228 = arith.addi %add3A_227, %mul3A_226 : i32
      %dma_wait3A = arith.constant 0 : i32
      %dma_wait3A_229 = arith.constant 0 : i32
      %dma_wait3A_230 = tpu.memref_slice %arg18[%dma_wait3A_229, %sub3A_224] : memref<3x2x!tpu.dma_semaphore, #tpu.memory_space<semaphore_mem>> -> memref<1x1x!tpu.dma_semaphore, #tpu.memory_space<semaphore_mem>>
      %dma_wait3A_231 = tpu.memref_squeeze %dma_wait3A_230 : memref<1x1x!tpu.dma_semaphore, #tpu.memory_space<semaphore_mem>> -> memref<!tpu.dma_semaphore, #tpu.memory_space<semaphore_mem>>
      %dma_wait3A_232 = arith.constant 0 : i32
      %dma_wait3A_233 = tpu.memref_slice %arg14[%add3A_228, %dma_wait3A, %dma_wait3A_232] : memref<16384x3x128xf32, #tpu.memory_space<any>> -> memref<4096x1x128xf32, #tpu.memory_space<any>>
      %dma_wait3A_234 = tpu.memref_squeeze %dma_wait3A_233 : memref<4096x1x128xf32, #tpu.memory_space<any>> -> memref<4096x128xf32, #tpu.memory_space<any>>
      tpu.wait_dma2 semaphore(%dma_wait3A_231 : memref<!tpu.dma_semaphore, #tpu.memory_space<semaphore_mem>>) src(%arg15 : memref<4096x128xf32, #tpu.memory_space<vmem>>) dst(%dma_wait3A_234 : memref<4096x128xf32, #tpu.memory_space<any>>)
      %mul3A_235 = arith.constant 4096 : i32
      %mul3A_236 = arith.muli %sub3A_222, %mul3A_235 : i32
      %add3A_237 = arith.constant 0 : i32
      %add3A_238 = arith.addi %add3A_237, %mul3A_236 : i32
      %dma_wait3A_239 = arith.constant 1 : i32
      %dma_wait3A_240 = arith.constant 1 : i32
      %dma_wait3A_241 = tpu.memref_slice %arg18[%dma_wait3A_240, %sub3A_224] : memref<3x2x!tpu.dma_semaphore, #tpu.memory_space<semaphore_mem>> -> memref<1x1x!tpu.dma_semaphore, #tpu.memory_space<semaphore_mem>>
      %dma_wait3A_242 = tpu.memref_squeeze %dma_wait3A_241 : memref<1x1x!tpu.dma_semaphore, #tpu.memory_space<semaphore_mem>> -> memref<!tpu.dma_semaphore, #tpu.memory_space<semaphore_mem>>
      %dma_wait3A_243 = arith.constant 0 : i32
      %dma_wait3A_244 = tpu.memref_slice %arg14[%add3A_238, %dma_wait3A_239, %dma_wait3A_243] : memref<16384x3x128xf32, #tpu.memory_space<any>> -> memref<4096x1x128xf32, #tpu.memory_space<any>>
      %dma_wait3A_245 = tpu.memref_squeeze %dma_wait3A_244 : memref<4096x1x128xf32, #tpu.memory_space<any>> -> memref<4096x128xf32, #tpu.memory_space<any>>
      %dma_wait3A_246 = arith.constant 0 : i32
      %dma_wait3A_247 = arith.constant 0 : i32
      %dma_wait3A_248 = tpu.memref_slice %arg16[%sub3A_224, %dma_wait3A_246, %dma_wait3A_247] : memref<2x4096x128xf32, #tpu.memory_space<vmem>> -> memref<1x4096x128xf32, #tpu.memory_space<vmem>>
      %dma_wait3A_249 = tpu.memref_squeeze %dma_wait3A_248 : memref<1x4096x128xf32, #tpu.memory_space<vmem>> -> memref<4096x128xf32, #tpu.memory_space<vmem>>
      tpu.wait_dma2 semaphore(%dma_wait3A_242 : memref<!tpu.dma_semaphore, #tpu.memory_space<semaphore_mem>>) src(%dma_wait3A_249 : memref<4096x128xf32, #tpu.memory_space<vmem>>) dst(%dma_wait3A_245 : memref<4096x128xf32, #tpu.memory_space<any>>)
      %mul3A_250 = arith.constant 4096 : i32
      %mul3A_251 = arith.muli %sub3A_222, %mul3A_250 : i32
      %add3A_252 = arith.constant 0 : i32
      %add3A_253 = arith.addi %add3A_252, %mul3A_251 : i32
      %dma_wait3A_254 = arith.constant 2 : i32
      %dma_wait3A_255 = arith.constant 2 : i32
      %dma_wait3A_256 = tpu.memref_slice %arg18[%dma_wait3A_255, %sub3A_224] : memref<3x2x!tpu.dma_semaphore, #tpu.memory_space<semaphore_mem>> -> memref<1x1x!tpu.dma_semaphore, #tpu.memory_space<semaphore_mem>>
      %dma_wait3A_257 = tpu.memref_squeeze %dma_wait3A_256 : memref<1x1x!tpu.dma_semaphore, #tpu.memory_space<semaphore_mem>> -> memref<!tpu.dma_semaphore, #tpu.memory_space<semaphore_mem>>
      %dma_wait3A_258 = arith.constant 0 : i32
      %dma_wait3A_259 = tpu.memref_slice %arg14[%add3A_253, %dma_wait3A_254, %dma_wait3A_258] : memref<16384x3x128xf32, #tpu.memory_space<any>> -> memref<4096x1x128xf32, #tpu.memory_space<any>>
      %dma_wait3A_260 = tpu.memref_squeeze %dma_wait3A_259 : memref<4096x1x128xf32, #tpu.memory_space<any>> -> memref<4096x128xf32, #tpu.memory_space<any>>
      %dma_wait3A_261 = arith.constant 0 : i32
      %dma_wait3A_262 = arith.constant 0 : i32
      %dma_wait3A_263 = tpu.memref_slice %arg17[%sub3A_224, %dma_wait3A_261, %dma_wait3A_262] : memref<2x4096x128xf32, #tpu.memory_space<vmem>> -> memref<1x4096x128xf32, #tpu.memory_space<vmem>>
      %dma_wait3A_264 = tpu.memref_squeeze %dma_wait3A_263 : memref<1x4096x128xf32, #tpu.memory_space<vmem>> -> memref<4096x128xf32, #tpu.memory_space<vmem>>
      tpu.wait_dma2 semaphore(%dma_wait3A_257 : memref<!tpu.dma_semaphore, #tpu.memory_space<semaphore_mem>>) src(%dma_wait3A_264 : memref<4096x128xf32, #tpu.memory_space<vmem>>) dst(%dma_wait3A_260 : memref<4096x128xf32, #tpu.memory_space<any>>)
      %mul3A_265 = arith.constant 4096 : i32
      %mul3A_266 = arith.muli %arg0, %mul3A_265 : i32
      %add3A_267 = arith.constant 0 : i32
      %add3A_268 = arith.addi %add3A_267, %mul3A_266 : i32
      %dma_wait3A_269 = arith.constant 0 : i32
      %dma_wait3A_270 = arith.constant 0 : i32
      %dma_wait3A_271 = tpu.memref_slice %arg18[%dma_wait3A_270, %rem3A_0] : memref<3x2x!tpu.dma_semaphore, #tpu.memory_space<semaphore_mem>> -> memref<1x1x!tpu.dma_semaphore, #tpu.memory_space<semaphore_mem>>
      %dma_wait3A_272 = tpu.memref_squeeze %dma_wait3A_271 : memref<1x1x!tpu.dma_semaphore, #tpu.memory_space<semaphore_mem>> -> memref<!tpu.dma_semaphore, #tpu.memory_space<semaphore_mem>>
      %dma_wait3A_273 = arith.constant 0 : i32
      %dma_wait3A_274 = tpu.memref_slice %arg14[%add3A_268, %dma_wait3A_269, %dma_wait3A_273] : memref<16384x3x128xf32, #tpu.memory_space<any>> -> memref<4096x1x128xf32, #tpu.memory_space<any>>
      %dma_wait3A_275 = tpu.memref_squeeze %dma_wait3A_274 : memref<4096x1x128xf32, #tpu.memory_space<any>> -> memref<4096x128xf32, #tpu.memory_space<any>>
      tpu.wait_dma2 semaphore(%dma_wait3A_272 : memref<!tpu.dma_semaphore, #tpu.memory_space<semaphore_mem>>) src(%arg15 : memref<4096x128xf32, #tpu.memory_space<vmem>>) dst(%dma_wait3A_275 : memref<4096x128xf32, #tpu.memory_space<any>>)
      %mul3A_276 = arith.constant 4096 : i32
      %mul3A_277 = arith.muli %arg0, %mul3A_276 : i32
      %add3A_278 = arith.constant 0 : i32
      %add3A_279 = arith.addi %add3A_278, %mul3A_277 : i32
      %dma_wait3A_280 = arith.constant 1 : i32
      %dma_wait3A_281 = arith.constant 1 : i32
      %dma_wait3A_282 = tpu.memref_slice %arg18[%dma_wait3A_281, %rem3A_0] : memref<3x2x!tpu.dma_semaphore, #tpu.memory_space<semaphore_mem>> -> memref<1x1x!tpu.dma_semaphore, #tpu.memory_space<semaphore_mem>>
      %dma_wait3A_283 = tpu.memref_squeeze %dma_wait3A_282 : memref<1x1x!tpu.dma_semaphore, #tpu.memory_space<semaphore_mem>> -> memref<!tpu.dma_semaphore, #tpu.memory_space<semaphore_mem>>
      %dma_wait3A_284 = arith.constant 0 : i32
      %dma_wait3A_285 = tpu.memref_slice %arg14[%add3A_279, %dma_wait3A_280, %dma_wait3A_284] : memref<16384x3x128xf32, #tpu.memory_space<any>> -> memref<4096x1x128xf32, #tpu.memory_space<any>>
      %dma_wait3A_286 = tpu.memref_squeeze %dma_wait3A_285 : memref<4096x1x128xf32, #tpu.memory_space<any>> -> memref<4096x128xf32, #tpu.memory_space<any>>
      %dma_wait3A_287 = arith.constant 0 : i32
      %dma_wait3A_288 = arith.constant 0 : i32
      %dma_wait3A_289 = tpu.memref_slice %arg16[%rem3A_0, %dma_wait3A_287, %dma_wait3A_288] : memref<2x4096x128xf32, #tpu.memory_space<vmem>> -> memref<1x4096x128xf32, #tpu.memory_space<vmem>>
      %dma_wait3A_290 = tpu.memref_squeeze %dma_wait3A_289 : memref<1x4096x128xf32, #tpu.memory_space<vmem>> -> memref<4096x128xf32, #tpu.memory_space<vmem>>
      tpu.wait_dma2 semaphore(%dma_wait3A_283 : memref<!tpu.dma_semaphore, #tpu.memory_space<semaphore_mem>>) src(%dma_wait3A_290 : memref<4096x128xf32, #tpu.memory_space<vmem>>) dst(%dma_wait3A_286 : memref<4096x128xf32, #tpu.memory_space<any>>)
      %mul3A_291 = arith.constant 4096 : i32
      %mul3A_292 = arith.muli %arg0, %mul3A_291 : i32
      %add3A_293 = arith.constant 0 : i32
      %add3A_294 = arith.addi %add3A_293, %mul3A_292 : i32
      %dma_wait3A_295 = arith.constant 2 : i32
      %dma_wait3A_296 = arith.constant 2 : i32
      %dma_wait3A_297 = tpu.memref_slice %arg18[%dma_wait3A_296, %rem3A_0] : memref<3x2x!tpu.dma_semaphore, #tpu.memory_space<semaphore_mem>> -> memref<1x1x!tpu.dma_semaphore, #tpu.memory_space<semaphore_mem>>
      %dma_wait3A_298 = tpu.memref_squeeze %dma_wait3A_297 : memref<1x1x!tpu.dma_semaphore, #tpu.memory_space<semaphore_mem>> -> memref<!tpu.dma_semaphore, #tpu.memory_space<semaphore_mem>>
      %dma_wait3A_299 = arith.constant 0 : i32
      %dma_wait3A_300 = tpu.memref_slice %arg14[%add3A_294, %dma_wait3A_295, %dma_wait3A_299] : memref<16384x3x128xf32, #tpu.memory_space<any>> -> memref<4096x1x128xf32, #tpu.memory_space<any>>
      %dma_wait3A_301 = tpu.memref_squeeze %dma_wait3A_300 : memref<4096x1x128xf32, #tpu.memory_space<any>> -> memref<4096x128xf32, #tpu.memory_space<any>>
      %dma_wait3A_302 = arith.constant 0 : i32
      %dma_wait3A_303 = arith.constant 0 : i32
      %dma_wait3A_304 = tpu.memref_slice %arg17[%rem3A_0, %dma_wait3A_302, %dma_wait3A_303] : memref<2x4096x128xf32, #tpu.memory_space<vmem>> -> memref<1x4096x128xf32, #tpu.memory_space<vmem>>
      %dma_wait3A_305 = tpu.memref_squeeze %dma_wait3A_304 : memref<1x4096x128xf32, #tpu.memory_space<vmem>> -> memref<4096x128xf32, #tpu.memory_space<vmem>>
      tpu.wait_dma2 semaphore(%dma_wait3A_298 : memref<!tpu.dma_semaphore, #tpu.memory_space<semaphore_mem>>) src(%dma_wait3A_305 : memref<4096x128xf32, #tpu.memory_space<vmem>>) dst(%dma_wait3A_301 : memref<4096x128xf32, #tpu.memory_space<any>>)
    } else {
    }
    return
  }
  func.func @transform_0(%arg0: i32) -> (i32, i32) {
    %c0_i32 = arith.constant 0 : i32
    %c0_i32_0 = arith.constant 0 : i32
    return %arg0, %c0_i32 : i32, i32
  }
  func.func @transform_1(%arg0: i32) -> (i32, i32, i32) {
    %add3A = arith.constant 0 : i32
    %add3A_0 = arith.addi %add3A, %arg0 : i32
    %c0_i32 = arith.constant 0 : i32
    %c0_i32_1 = arith.constant 0 : i32
    %c0_i32_2 = arith.constant 0 : i32
    return %add3A_0, %c0_i32, %c0_i32_1 : i32, i32, i32
  }
  func.func @transform_2(%arg0: i32) -> (i32, i32) {
    %c0_i32 = arith.constant 0 : i32
    %c0_i32_0 = arith.constant 0 : i32
    %c0_i32_1 = arith.constant 0 : i32
    return %c0_i32, %c0_i32_0 : i32, i32
  }
  func.func @transform_3(%arg0: i32) -> i32 {
    %c0_i32 = arith.constant 0 : i32
    %c0_i32_0 = arith.constant 0 : i32
    return %c0_i32 : i32
  }
  func.func @transform_4(%arg0: i32) -> (i32, i32) {
    %c0_i32 = arith.constant 0 : i32
    %c0_i32_0 = arith.constant 0 : i32
    %c0_i32_1 = arith.constant 0 : i32
    return %c0_i32, %c0_i32_0 : i32, i32
  }
  func.func @transform_5(%arg0: i32) -> i32 {
    %c0_i32 = arith.constant 0 : i32
    %c0_i32_0 = arith.constant 0 : i32
    return %c0_i32 : i32
  }
  func.func @transform_6(%arg0: i32) -> (i32, i32) {
    %c0_i32 = arith.constant 0 : i32
    %c0_i32_0 = arith.constant 0 : i32
    %c0_i32_1 = arith.constant 0 : i32
    return %c0_i32, %c0_i32_0 : i32, i32
  }
  func.func @transform_7(%arg0: i32) -> i32 {
    %c0_i32 = arith.constant 0 : i32
    %c0_i32_0 = arith.constant 0 : i32
    return %c0_i32 : i32
  }
  func.func @transform_8(%arg0: i32) -> (i32, i32) {
    %c0_i32 = arith.constant 0 : i32
    %c0_i32_0 = arith.constant 0 : i32
    %c0_i32_1 = arith.constant 0 : i32
    return %c0_i32, %c0_i32_0 : i32, i32
  }
  func.func @transform_9(%arg0: i32) -> i32 {
    %c0_i32 = arith.constant 0 : i32
    %c0_i32_0 = arith.constant 0 : i32
    return %c0_i32 : i32
  }
  func.func @transform_10(%arg0: i32) -> (i32, i32, i32) {
    %c0_i32 = arith.constant 0 : i32
    %c0_i32_0 = arith.constant 0 : i32
    %c0_i32_1 = arith.constant 0 : i32
    %c0_i32_2 = arith.constant 0 : i32
    return %c0_i32, %c0_i32_0, %c0_i32_1 : i32, i32, i32
  }
  func.func @transform_11(%arg0: i32) -> i32 {
    %c0_i32 = arith.constant 0 : i32
    %c0_i32_0 = arith.constant 0 : i32
    return %c0_i32 : i32
  }
  func.func @transform_12(%arg0: i32) -> i32 {
    %c0_i32 = arith.constant 0 : i32
    %c0_i32_0 = arith.constant 0 : i32
    return %c0_i32 : i32
  }
}

module attributes {stable_mosaic.version = 14 : i64} {
  func.func @body(%arg0: i32, %arg1: memref<16384x3x128xf32, #tpu.memory_space<any>>, %arg2: memref<4096x128xf32, #tpu.memory_space<vmem>>, %arg3: memref<1x1x4096xf32, #tpu.memory_space<vmem>>, %arg4: memref<128x128xf32, #tpu.memory_space<vmem>>, %arg5: memref<128xf32, #tpu.memory_space<vmem>>, %arg6: memref<128x128xf32, #tpu.memory_space<vmem>>, %arg7: memref<128xf32, #tpu.memory_space<vmem>>, %arg8: memref<128x128xf32, #tpu.memory_space<vmem>>, %arg9: memref<128xf32, #tpu.memory_space<vmem>>, %arg10: memref<128x128xf32, #tpu.memory_space<vmem>>, %arg11: memref<128xf32, #tpu.memory_space<vmem>>, %arg12: memref<1x1x128xf32, #tpu.memory_space<vmem>>, %arg13: memref<128xf32, #tpu.memory_space<vmem>>, %arg14: memref<128xf32, #tpu.memory_space<vmem>>, %arg15: memref<16384x3x128xf32, #tpu.memory_space<any>>, %arg16: memref<4096x128xf32, #tpu.memory_space<vmem>>, %arg17: memref<2x4096x128xf32, #tpu.memory_space<vmem>>, %arg18: memref<2x4096x128xf32, #tpu.memory_space<vmem>>, %arg19: memref<3x2x!tpu.dma_semaphore, #tpu.memory_space<semaphore_mem>>) attributes {dimension_semantics = [#tpu.dimension_semantics<arbitrary>], iteration_bounds = array<i64: 2>, scalar_prefetch = 0 : i64, scratch_operands = 4 : i64, tpu.core_type = #tpu.core_type<tc>, window_params = [{}, {transform_indices = @transform_1, window_bounds = array<i64: 4096, 128>}, {transform_indices = @transform_2, window_bounds = array<i64: 1, 1, 4096>}, {pipeline_mode = #tpu.pipeline_mode<synchronous>, transform_indices = @transform_3, window_bounds = array<i64: 128, 128>}, {pipeline_mode = #tpu.pipeline_mode<synchronous>, transform_indices = @transform_4, window_bounds = array<i64: 128>}, {pipeline_mode = #tpu.pipeline_mode<synchronous>, transform_indices = @transform_5, window_bounds = array<i64: 128, 128>}, {pipeline_mode = #tpu.pipeline_mode<synchronous>, transform_indices = @transform_6, window_bounds = array<i64: 128>}, {pipeline_mode = #tpu.pipeline_mode<synchronous>, transform_indices = @transform_7, window_bounds = array<i64: 128, 128>}, {pipeline_mode = #tpu.pipeline_mode<synchronous>, transform_indices = @transform_8, window_bounds = array<i64: 128>}, {pipeline_mode = #tpu.pipeline_mode<synchronous>, transform_indices = @transform_9, window_bounds = array<i64: 128, 128>}, {pipeline_mode = #tpu.pipeline_mode<synchronous>, transform_indices = @transform_10, window_bounds = array<i64: 128>}, {pipeline_mode = #tpu.pipeline_mode<synchronous>, transform_indices = @transform_11, window_bounds = array<i64: 1, 1, 128>}, {pipeline_mode = #tpu.pipeline_mode<synchronous>, transform_indices = @transform_12, window_bounds = array<i64: 128>}, {pipeline_mode = #tpu.pipeline_mode<synchronous>, transform_indices = @transform_13, window_bounds = array<i64: 128>}, {}]} {
    %rem3A = arith.constant 2 : i32
    %rem3A_0 = arith.remsi %arg0, %rem3A : i32
    %get3A = arith.constant 0 : index
    %get3A_1 = vector.load %arg13[%get3A] : memref<128xf32, #tpu.memory_space<vmem>>, vector<128xf32>
    %reshape3A = vector.shape_cast %get3A_1 : vector<128xf32> to vector<1x128xf32>
    %get3A_2 = arith.constant 0 : index
    %get3A_3 = vector.load %arg14[%get3A_2] : memref<128xf32, #tpu.memory_space<vmem>>, vector<128xf32>
    %reshape3A_4 = vector.shape_cast %get3A_3 : vector<128xf32> to vector<1x128xf32>
    %ge3A = arith.constant 2 : i32
    %ge3A_5 = arith.cmpi sge, %arg0, %ge3A : i32
    %convert_element_type3A = arith.extui %ge3A_5 : i1 to i32
    %cond3A = arith.constant 0 : i32
    %cond3A_6 = arith.cmpi ne, %convert_element_type3A, %cond3A : i32
    scf.if %cond3A_6 {
      %sub3A_221 = arith.constant 2 : i32
      %sub3A_222 = arith.subi %arg0, %sub3A_221 : i32
      %mul3A_223 = arith.constant 4096 : i32
      %mul3A_224 = arith.muli %sub3A_222, %mul3A_223 : i32
      %add3A_225 = arith.constant 8192 : i32
      %add3A_226 = arith.addi %add3A_225, %mul3A_224 : i32
      %dma_wait3A = arith.constant 0 : i32
      %dma_wait3A_227 = arith.constant 0 : i32
      %dma_wait3A_228 = tpu.memref_slice %arg19[%dma_wait3A_227, %rem3A_0] : memref<3x2x!tpu.dma_semaphore, #tpu.memory_space<semaphore_mem>> -> memref<1x1x!tpu.dma_semaphore, #tpu.memory_space<semaphore_mem>>
      %dma_wait3A_229 = tpu.memref_squeeze %dma_wait3A_228 : memref<1x1x!tpu.dma_semaphore, #tpu.memory_space<semaphore_mem>> -> memref<!tpu.dma_semaphore, #tpu.memory_space<semaphore_mem>>
      %dma_wait3A_230 = arith.constant 0 : i32
      %dma_wait3A_231 = tpu.memref_slice %arg15[%add3A_226, %dma_wait3A, %dma_wait3A_230] : memref<16384x3x128xf32, #tpu.memory_space<any>> -> memref<4096x1x128xf32, #tpu.memory_space<any>>
      %dma_wait3A_232 = tpu.memref_squeeze %dma_wait3A_231 : memref<4096x1x128xf32, #tpu.memory_space<any>> -> memref<4096x128xf32, #tpu.memory_space<any>>
      tpu.wait_dma2 semaphore(%dma_wait3A_229 : memref<!tpu.dma_semaphore, #tpu.memory_space<semaphore_mem>>) src(%arg16 : memref<4096x128xf32, #tpu.memory_space<vmem>>) dst(%dma_wait3A_232 : memref<4096x128xf32, #tpu.memory_space<any>>)
      %mul3A_233 = arith.constant 4096 : i32
      %mul3A_234 = arith.muli %sub3A_222, %mul3A_233 : i32
      %add3A_235 = arith.constant 8192 : i32
      %add3A_236 = arith.addi %add3A_235, %mul3A_234 : i32
      %dma_wait3A_237 = arith.constant 1 : i32
      %dma_wait3A_238 = arith.constant 1 : i32
      %dma_wait3A_239 = tpu.memref_slice %arg19[%dma_wait3A_238, %rem3A_0] : memref<3x2x!tpu.dma_semaphore, #tpu.memory_space<semaphore_mem>> -> memref<1x1x!tpu.dma_semaphore, #tpu.memory_space<semaphore_mem>>
      %dma_wait3A_240 = tpu.memref_squeeze %dma_wait3A_239 : memref<1x1x!tpu.dma_semaphore, #tpu.memory_space<semaphore_mem>> -> memref<!tpu.dma_semaphore, #tpu.memory_space<semaphore_mem>>
      %dma_wait3A_241 = arith.constant 0 : i32
      %dma_wait3A_242 = tpu.memref_slice %arg15[%add3A_236, %dma_wait3A_237, %dma_wait3A_241] : memref<16384x3x128xf32, #tpu.memory_space<any>> -> memref<4096x1x128xf32, #tpu.memory_space<any>>
      %dma_wait3A_243 = tpu.memref_squeeze %dma_wait3A_242 : memref<4096x1x128xf32, #tpu.memory_space<any>> -> memref<4096x128xf32, #tpu.memory_space<any>>
      %dma_wait3A_244 = arith.constant 0 : i32
      %dma_wait3A_245 = arith.constant 0 : i32
      %dma_wait3A_246 = tpu.memref_slice %arg17[%rem3A_0, %dma_wait3A_244, %dma_wait3A_245] : memref<2x4096x128xf32, #tpu.memory_space<vmem>> -> memref<1x4096x128xf32, #tpu.memory_space<vmem>>
      %dma_wait3A_247 = tpu.memref_squeeze %dma_wait3A_246 : memref<1x4096x128xf32, #tpu.memory_space<vmem>> -> memref<4096x128xf32, #tpu.memory_space<vmem>>
      tpu.wait_dma2 semaphore(%dma_wait3A_240 : memref<!tpu.dma_semaphore, #tpu.memory_space<semaphore_mem>>) src(%dma_wait3A_247 : memref<4096x128xf32, #tpu.memory_space<vmem>>) dst(%dma_wait3A_243 : memref<4096x128xf32, #tpu.memory_space<any>>)
      %mul3A_248 = arith.constant 4096 : i32
      %mul3A_249 = arith.muli %sub3A_222, %mul3A_248 : i32
      %add3A_250 = arith.constant 8192 : i32
      %add3A_251 = arith.addi %add3A_250, %mul3A_249 : i32
      %dma_wait3A_252 = arith.constant 2 : i32
      %dma_wait3A_253 = arith.constant 2 : i32
      %dma_wait3A_254 = tpu.memref_slice %arg19[%dma_wait3A_253, %rem3A_0] : memref<3x2x!tpu.dma_semaphore, #tpu.memory_space<semaphore_mem>> -> memref<1x1x!tpu.dma_semaphore, #tpu.memory_space<semaphore_mem>>
      %dma_wait3A_255 = tpu.memref_squeeze %dma_wait3A_254 : memref<1x1x!tpu.dma_semaphore, #tpu.memory_space<semaphore_mem>> -> memref<!tpu.dma_semaphore, #tpu.memory_space<semaphore_mem>>
      %dma_wait3A_256 = arith.constant 0 : i32
      %dma_wait3A_257 = tpu.memref_slice %arg15[%add3A_251, %dma_wait3A_252, %dma_wait3A_256] : memref<16384x3x128xf32, #tpu.memory_space<any>> -> memref<4096x1x128xf32, #tpu.memory_space<any>>
      %dma_wait3A_258 = tpu.memref_squeeze %dma_wait3A_257 : memref<4096x1x128xf32, #tpu.memory_space<any>> -> memref<4096x128xf32, #tpu.memory_space<any>>
      %dma_wait3A_259 = arith.constant 0 : i32
      %dma_wait3A_260 = arith.constant 0 : i32
      %dma_wait3A_261 = tpu.memref_slice %arg18[%rem3A_0, %dma_wait3A_259, %dma_wait3A_260] : memref<2x4096x128xf32, #tpu.memory_space<vmem>> -> memref<1x4096x128xf32, #tpu.memory_space<vmem>>
      %dma_wait3A_262 = tpu.memref_squeeze %dma_wait3A_261 : memref<1x4096x128xf32, #tpu.memory_space<vmem>> -> memref<4096x128xf32, #tpu.memory_space<vmem>>
      tpu.wait_dma2 semaphore(%dma_wait3A_255 : memref<!tpu.dma_semaphore, #tpu.memory_space<semaphore_mem>>) src(%dma_wait3A_262 : memref<4096x128xf32, #tpu.memory_space<vmem>>) dst(%dma_wait3A_258 : memref<4096x128xf32, #tpu.memory_space<any>>)
    } else {
    }
    %eq3A = arith.constant 0 : i32
    %eq3A_7 = arith.cmpi eq, %arg0, %eq3A : i32
    %convert_element_type3A_8 = arith.extui %eq3A_7 : i1 to i32
    %cond3A_9 = arith.constant 0 : i32
    %cond3A_10 = arith.cmpi ne, %convert_element_type3A_8, %cond3A_9 : i32
    scf.if %cond3A_10 {
      %get3A_221 = arith.constant 0 : index
      %get3A_222 = arith.constant 0 : index
      %get3A_223 = arith.constant 0 : index
      %get3A_224 = vector.load %arg12[%get3A_221, %get3A_222, %get3A_223] : memref<1x1x128xf32, #tpu.memory_space<vmem>>, vector<1x1x128xf32>
      %reshape3A_225 = vector.shape_cast %get3A_224 : vector<1x1x128xf32> to vector<1x128xf32>
      %reduce_sum3A_226 = arith.constant dense<0.000000e+00> : vector<1xf32>
      %reduce_sum3A_227 = vector.multi_reduction <add>, %reshape3A_225, %reduce_sum3A_226 [1] : vector<1x128xf32> to vector<1xf32>
      %broadcast_in_dim3A_228 = vector.shape_cast %reduce_sum3A_227 : vector<1xf32> to vector<1x1xf32>
      %div3A_229 = arith.constant 1.280000e+02 : f32
      %div3A_230 = vector.broadcast %div3A_229 : f32 to vector<1x1xf32>
      %div3A_231 = arith.divf %broadcast_in_dim3A_228, %div3A_230 : vector<1x1xf32>
      %sub3A_232 = vector.broadcast %div3A_231 : vector<1x1xf32> to vector<1x128xf32>
      %sub3A_233 = arith.subf %reshape3A_225, %sub3A_232 : vector<1x128xf32>
      %mul3A_234 = arith.mulf %sub3A_233, %sub3A_233 : vector<1x128xf32>
      %reduce_sum3A_235 = arith.constant dense<0.000000e+00> : vector<1xf32>
      %reduce_sum3A_236 = vector.multi_reduction <add>, %mul3A_234, %reduce_sum3A_235 [1] : vector<1x128xf32> to vector<1xf32>
      %broadcast_in_dim3A_237 = vector.shape_cast %reduce_sum3A_236 : vector<1xf32> to vector<1x1xf32>
      %div3A_238 = arith.constant 1.280000e+02 : f32
      %div3A_239 = vector.broadcast %div3A_238 : f32 to vector<1x1xf32>
      %div3A_240 = arith.divf %broadcast_in_dim3A_237, %div3A_239 : vector<1x1xf32>
      %add3A_241 = arith.constant 9.99999974E-6 : f32
      %add3A_242 = vector.broadcast %add3A_241 : f32 to vector<1x1xf32>
      %add3A_243 = arith.addf %div3A_240, %add3A_242 : vector<1x1xf32>
      %rsqrt3A_244 = math.rsqrt %add3A_243 : vector<1x1xf32>
      %mul3A_245 = vector.broadcast %rsqrt3A_244 : vector<1x1xf32> to vector<1x128xf32>
      %mul3A_246 = arith.mulf %sub3A_233, %mul3A_245 : vector<1x128xf32>
      %mul3A_247 = arith.mulf %mul3A_246, %reshape3A : vector<1x128xf32>
      %add3A_248 = arith.addf %mul3A_247, %reshape3A_4 : vector<1x128xf32>
      %broadcast_in_dim3A_249 = vector.shape_cast %add3A_248 : vector<1x128xf32> to vector<1x128xf32>
      %broadcast_in_dim3A_250 = vector.broadcast %broadcast_in_dim3A_249 : vector<1x128xf32> to vector<4096x128xf32>
      %swap3A_251 = arith.constant 0 : index
      %swap3A_252 = arith.constant 0 : index
      %swap3A_253 = vector.load %arg16[%swap3A_251, %swap3A_252] : memref<4096x128xf32, #tpu.memory_space<vmem>>, vector<4096x128xf32>
      tpu.vector_store %arg16[%swap3A_251, %swap3A_252], %broadcast_in_dim3A_250 {strides = array<i32>} : memref<4096x128xf32, #tpu.memory_space<vmem>>, vector<4096x128xf32>,
    } else {
    }
    %get3A_11 = arith.constant 0 : index
    %get3A_12 = arith.constant 0 : index
    %get3A_13 = vector.load %arg2[%get3A_11, %get3A_12] : memref<4096x128xf32, #tpu.memory_space<vmem>>, vector<4096x128xf32>
    %get3A_14 = arith.constant 0 : index
    %get3A_15 = arith.constant 0 : index
    %get3A_16 = vector.load %arg4[%get3A_14, %get3A_15] : memref<128x128xf32, #tpu.memory_space<vmem>>, vector<128x128xf32>
    %dot_general3A = arith.constant dense<0.000000e+00> : vector<4096x128xf32>
    %dot_general3A_17 = tpu.matmul %get3A_13, %get3A_16, %dot_general3A {dimension_numbers = #tpu.dot_dimension_numbers<[1], [0], [0], [1], [0, 0, 1, 1], [], []>, transpose_lhs_hint = false} : vector<4096x128xf32>, vector<128x128xf32>, vector<4096x128xf32> -> vector<4096x128xf32>
    %get3A_18 = arith.constant 0 : index
    %get3A_19 = vector.load %arg5[%get3A_18] : memref<128xf32, #tpu.memory_space<vmem>>, vector<128xf32>
    %reshape3A_20 = vector.shape_cast %get3A_19 : vector<128xf32> to vector<1x128xf32>
    %add3A = vector.broadcast %reshape3A_20 : vector<1x128xf32> to vector<4096x128xf32>
    %add3A_21 = arith.addf %dot_general3A_17, %add3A : vector<4096x128xf32>
    %logistic3A = arith.negf %add3A_21 : vector<4096x128xf32>
    %logistic3A_22 = math.exp %logistic3A : vector<4096x128xf32>
    %logistic3A_23 = arith.constant 1.000000e+00 : f32
    %logistic3A_24 = vector.broadcast %logistic3A_23 : f32 to vector<4096x128xf32>
    %logistic3A_25 = arith.addf %logistic3A_24, %logistic3A_22 : vector<4096x128xf32>
    %logistic3A_26 = arith.divf %logistic3A_24, %logistic3A_25 : vector<4096x128xf32>
    %mul3A = arith.mulf %add3A_21, %logistic3A_26 : vector<4096x128xf32>
    %get3A_27 = arith.constant 0 : index
    %get3A_28 = arith.constant 0 : index
    %get3A_29 = vector.load %arg6[%get3A_27, %get3A_28] : memref<128x128xf32, #tpu.memory_space<vmem>>, vector<128x128xf32>
    %dot_general3A_30 = arith.constant dense<0.000000e+00> : vector<4096x128xf32>
    %dot_general3A_31 = tpu.matmul %mul3A, %get3A_29, %dot_general3A_30 {dimension_numbers = #tpu.dot_dimension_numbers<[1], [0], [0], [1], [0, 0, 1, 1], [], []>, transpose_lhs_hint = false} : vector<4096x128xf32>, vector<128x128xf32>, vector<4096x128xf32> -> vector<4096x128xf32>
    %get3A_32 = arith.constant 0 : index
    %get3A_33 = vector.load %arg7[%get3A_32] : memref<128xf32, #tpu.memory_space<vmem>>, vector<128xf32>
    %reshape3A_34 = vector.shape_cast %get3A_33 : vector<128xf32> to vector<1x128xf32>
    %add3A_35 = vector.broadcast %reshape3A_34 : vector<1x128xf32> to vector<4096x128xf32>
    %add3A_36 = arith.addf %dot_general3A_31, %add3A_35 : vector<4096x128xf32>
    %reduce_sum3A = arith.constant dense<0.000000e+00> : vector<4096xf32>
    %reduce_sum3A_37 = vector.multi_reduction <add>, %add3A_36, %reduce_sum3A [1] : vector<4096x128xf32> to vector<4096xf32>
    %broadcast_in_dim3A = vector.shape_cast %reduce_sum3A_37 : vector<4096xf32> to vector<4096x1xf32>
    %div3A = arith.constant 1.280000e+02 : f32
    %div3A_38 = vector.broadcast %div3A : f32 to vector<4096x1xf32>
    %div3A_39 = arith.divf %broadcast_in_dim3A, %div3A_38 : vector<4096x1xf32>
    %sub3A = vector.broadcast %div3A_39 : vector<4096x1xf32> to vector<4096x128xf32>
    %sub3A_40 = arith.subf %add3A_36, %sub3A : vector<4096x128xf32>
    %mul3A_41 = arith.mulf %sub3A_40, %sub3A_40 : vector<4096x128xf32>
    %reduce_sum3A_42 = arith.constant dense<0.000000e+00> : vector<4096xf32>
    %reduce_sum3A_43 = vector.multi_reduction <add>, %mul3A_41, %reduce_sum3A_42 [1] : vector<4096x128xf32> to vector<4096xf32>
    %broadcast_in_dim3A_44 = vector.shape_cast %reduce_sum3A_43 : vector<4096xf32> to vector<4096x1xf32>
    %div3A_45 = arith.constant 1.280000e+02 : f32
    %div3A_46 = vector.broadcast %div3A_45 : f32 to vector<4096x1xf32>
    %div3A_47 = arith.divf %broadcast_in_dim3A_44, %div3A_46 : vector<4096x1xf32>
    %add3A_48 = arith.constant 9.99999974E-6 : f32
    %add3A_49 = vector.broadcast %add3A_48 : f32 to vector<4096x1xf32>
    %add3A_50 = arith.addf %div3A_47, %add3A_49 : vector<4096x1xf32>
    %rsqrt3A = math.rsqrt %add3A_50 : vector<4096x1xf32>
    %mul3A_51 = vector.broadcast %rsqrt3A : vector<4096x1xf32> to vector<4096x128xf32>
    %mul3A_52 = arith.mulf %sub3A_40, %mul3A_51 : vector<4096x128xf32>
    %mul3A_53 = vector.broadcast %reshape3A : vector<1x128xf32> to vector<4096x128xf32>
    %mul3A_54 = arith.mulf %mul3A_52, %mul3A_53 : vector<4096x128xf32>
    %add3A_55 = vector.broadcast %reshape3A_4 : vector<1x128xf32> to vector<4096x128xf32>
    %add3A_56 = arith.addf %mul3A_54, %add3A_55 : vector<4096x128xf32>
    %swap3A = arith.index_cast %rem3A_0 : i32 to index
    %swap3A_57 = arith.constant 0 : index
    %swap3A_58 = arith.constant 0 : index
    %swap3A_59 = vector.load %arg17[%swap3A, %swap3A_57, %swap3A_58] : memref<2x4096x128xf32, #tpu.memory_space<vmem>>, vector<1x4096x128xf32>
    %swap3A_60 = vector.shape_cast %swap3A_59 : vector<1x4096x128xf32> to vector<4096x128xf32>
    %swap3A_61 = vector.shape_cast %add3A_56 : vector<4096x128xf32> to vector<1x4096x128xf32>
    tpu.vector_store %arg17[%swap3A, %swap3A_57, %swap3A_58], %swap3A_61 {strides = array<i32>} : memref<2x4096x128xf32, #tpu.memory_space<vmem>>, vector<1x4096x128xf32>,
    %get3A_62 = arith.constant 0 : index
    %get3A_63 = arith.constant 0 : index
    %get3A_64 = arith.constant 0 : index
    %get3A_65 = vector.load %arg3[%get3A_62, %get3A_63, %get3A_64] : memref<1x1x4096xf32, #tpu.memory_space<vmem>>, vector<1x1x4096xf32>
    %reshape3A_66 = vector.shape_cast %get3A_65 : vector<1x1x4096xf32> to vector<1x4096xf32>
    %jit3A = arith.constant 0.000000e+00 : f32
    %jit3A_67 = arith.constant 2.500000e+02 : f32
    %max3A = vector.broadcast %jit3A : f32 to vector<1x4096xf32>
    %max3A_68 = arith.maximumf %max3A, %reshape3A_66 : vector<1x4096xf32>
    %min3A = vector.broadcast %jit3A_67 : f32 to vector<1x4096xf32>
    %min3A_69 = arith.minimumf %min3A, %max3A_68 : vector<1x4096xf32>
    %mul3A_70 = arith.constant 4.000000e-03 : f32
    %mul3A_71 = vector.broadcast %mul3A_70 : f32 to vector<1x4096xf32>
    %mul3A_72 = arith.mulf %min3A_69, %mul3A_71 : vector<1x4096xf32>
    %iota3A = tpu.iota {dimensions = array<i32: 0>} : vector<64x1xi32>
    %convert_element_type3A_73 = arith.sitofp %iota3A : vector<64x1xi32> to vector<64x1xf32>
    %mul3A_74 = arith.constant 1.562500e-02 : f32
    %mul3A_75 = vector.broadcast %mul3A_74 : f32 to vector<64x1xf32>
    %mul3A_76 = arith.mulf %convert_element_type3A_73, %mul3A_75 : vector<64x1xf32>
    %mul3A_77 = arith.constant -9.21034049 : f32
    %mul3A_78 = vector.broadcast %mul3A_77 : f32 to vector<64x1xf32>
    %mul3A_79 = arith.mulf %mul3A_78, %mul3A_76 : vector<64x1xf32>
    %exp3A = math.exp %mul3A_79 : vector<64x1xf32>
    %mul3A_80 = vector.broadcast %exp3A : vector<64x1xf32> to vector<64x4096xf32>
    %mul3A_81 = vector.broadcast %mul3A_72 : vector<1x4096xf32> to vector<64x4096xf32>
    %mul3A_82 = arith.mulf %mul3A_80, %mul3A_81 : vector<64x4096xf32>
    %mul3A_83 = arith.mulf %mul3A_82, %mul3A_82 : vector<64x4096xf32>
    %mul3A_84 = arith.constant -1.98412701E-4 : f32
    %mul3A_85 = vector.broadcast %mul3A_84 : f32 to vector<64x4096xf32>
    %mul3A_86 = arith.mulf %mul3A_83, %mul3A_85 : vector<64x4096xf32>
    %add3A_87 = arith.constant 0.00833333377 : f32
    %add3A_88 = vector.broadcast %add3A_87 : f32 to vector<64x4096xf32>
    %add3A_89 = arith.addf %add3A_88, %mul3A_86 : vector<64x4096xf32>
    %mul3A_90 = arith.mulf %mul3A_83, %add3A_89 : vector<64x4096xf32>
    %add3A_91 = arith.constant -0.166666672 : f32
    %add3A_92 = vector.broadcast %add3A_91 : f32 to vector<64x4096xf32>
    %add3A_93 = arith.addf %add3A_92, %mul3A_90 : vector<64x4096xf32>
    %mul3A_94 = arith.mulf %mul3A_83, %add3A_93 : vector<64x4096xf32>
    %add3A_95 = arith.constant 1.000000e+00 : f32
    %add3A_96 = vector.broadcast %add3A_95 : f32 to vector<64x4096xf32>
    %add3A_97 = arith.addf %add3A_96, %mul3A_94 : vector<64x4096xf32>
    %mul3A_98 = arith.mulf %mul3A_82, %add3A_97 : vector<64x4096xf32>
    %mul3A_99 = arith.mulf %mul3A_82, %mul3A_82 : vector<64x4096xf32>
    %mul3A_100 = arith.constant 2.48015876E-5 : f32
    %mul3A_101 = vector.broadcast %mul3A_100 : f32 to vector<64x4096xf32>
    %mul3A_102 = arith.mulf %mul3A_99, %mul3A_101 : vector<64x4096xf32>
    %add3A_103 = arith.constant -0.00138888892 : f32
    %add3A_104 = vector.broadcast %add3A_103 : f32 to vector<64x4096xf32>
    %add3A_105 = arith.addf %add3A_104, %mul3A_102 : vector<64x4096xf32>
    %mul3A_106 = arith.mulf %mul3A_99, %add3A_105 : vector<64x4096xf32>
    %add3A_107 = arith.constant 0.0416666679 : f32
    %add3A_108 = vector.broadcast %add3A_107 : f32 to vector<64x4096xf32>
    %add3A_109 = arith.addf %add3A_108, %mul3A_106 : vector<64x4096xf32>
    %mul3A_110 = arith.mulf %mul3A_99, %add3A_109 : vector<64x4096xf32>
    %add3A_111 = arith.constant -5.000000e-01 : f32
    %add3A_112 = vector.broadcast %add3A_111 : f32 to vector<64x4096xf32>
    %add3A_113 = arith.addf %add3A_112, %mul3A_110 : vector<64x4096xf32>
    %mul3A_114 = arith.mulf %mul3A_99, %add3A_113 : vector<64x4096xf32>
    %add3A_115 = arith.constant 1.000000e+00 : f32
    %add3A_116 = vector.broadcast %add3A_115 : f32 to vector<64x4096xf32>
    %add3A_117 = arith.addf %add3A_116, %mul3A_114 : vector<64x4096xf32>
    %concatenate3A = tpu.concatenate %mul3A_98, %add3A_117 in 0 : vector<64x4096xf32>, vector<64x4096xf32> -> vector<128x4096xf32>
    %get3A_118 = arith.constant 0 : index
    %get3A_119 = arith.constant 0 : index
    %get3A_120 = vector.load %arg8[%get3A_118, %get3A_119] : memref<128x128xf32, #tpu.memory_space<vmem>>, vector<128x128xf32>
    %dot_general3A_121 = arith.constant dense<0.000000e+00> : vector<4096x128xf32>
    %dot_general3A_122 = tpu.matmul %concatenate3A, %get3A_120, %dot_general3A_121 {dimension_numbers = #tpu.dot_dimension_numbers<[0], [0], [1], [1], [0, 1, 1, 1], [], []>, transpose_lhs_hint = false} : vector<128x4096xf32>, vector<128x128xf32>, vector<4096x128xf32> -> vector<4096x128xf32>
    %get3A_123 = arith.constant 0 : index
    %get3A_124 = vector.load %arg9[%get3A_123] : memref<128xf32, #tpu.memory_space<vmem>>, vector<128xf32>
    %reshape3A_125 = vector.shape_cast %get3A_124 : vector<128xf32> to vector<1x128xf32>
    %add3A_126 = vector.broadcast %reshape3A_125 : vector<1x128xf32> to vector<4096x128xf32>
    %add3A_127 = arith.addf %dot_general3A_122, %add3A_126 : vector<4096x128xf32>
    %logistic3A_128 = arith.negf %add3A_127 : vector<4096x128xf32>
    %logistic3A_129 = math.exp %logistic3A_128 : vector<4096x128xf32>
    %logistic3A_130 = arith.constant 1.000000e+00 : f32
    %logistic3A_131 = vector.broadcast %logistic3A_130 : f32 to vector<4096x128xf32>
    %logistic3A_132 = arith.addf %logistic3A_131, %logistic3A_129 : vector<4096x128xf32>
    %logistic3A_133 = arith.divf %logistic3A_131, %logistic3A_132 : vector<4096x128xf32>
    %mul3A_134 = arith.mulf %add3A_127, %logistic3A_133 : vector<4096x128xf32>
    %get3A_135 = arith.constant 0 : index
    %get3A_136 = arith.constant 0 : index
    %get3A_137 = vector.load %arg10[%get3A_135, %get3A_136] : memref<128x128xf32, #tpu.memory_space<vmem>>, vector<128x128xf32>
    %dot_general3A_138 = arith.constant dense<0.000000e+00> : vector<4096x128xf32>
    %dot_general3A_139 = tpu.matmul %mul3A_134, %get3A_137, %dot_general3A_138 {dimension_numbers = #tpu.dot_dimension_numbers<[1], [0], [0], [1], [0, 0, 1, 1], [], []>, transpose_lhs_hint = false} : vector<4096x128xf32>, vector<128x128xf32>, vector<4096x128xf32> -> vector<4096x128xf32>
    %get3A_140 = arith.constant 0 : index
    %get3A_141 = vector.load %arg11[%get3A_140] : memref<128xf32, #tpu.memory_space<vmem>>, vector<128xf32>
    %reshape3A_142 = vector.shape_cast %get3A_141 : vector<128xf32> to vector<1x128xf32>
    %add3A_143 = vector.broadcast %reshape3A_142 : vector<1x128xf32> to vector<4096x128xf32>
    %add3A_144 = arith.addf %dot_general3A_139, %add3A_143 : vector<4096x128xf32>
    %reduce_sum3A_145 = arith.constant dense<0.000000e+00> : vector<4096xf32>
    %reduce_sum3A_146 = vector.multi_reduction <add>, %add3A_144, %reduce_sum3A_145 [1] : vector<4096x128xf32> to vector<4096xf32>
    %broadcast_in_dim3A_147 = vector.shape_cast %reduce_sum3A_146 : vector<4096xf32> to vector<4096x1xf32>
    %div3A_148 = arith.constant 1.280000e+02 : f32
    %div3A_149 = vector.broadcast %div3A_148 : f32 to vector<4096x1xf32>
    %div3A_150 = arith.divf %broadcast_in_dim3A_147, %div3A_149 : vector<4096x1xf32>
    %sub3A_151 = vector.broadcast %div3A_150 : vector<4096x1xf32> to vector<4096x128xf32>
    %sub3A_152 = arith.subf %add3A_144, %sub3A_151 : vector<4096x128xf32>
    %mul3A_153 = arith.mulf %sub3A_152, %sub3A_152 : vector<4096x128xf32>
    %reduce_sum3A_154 = arith.constant dense<0.000000e+00> : vector<4096xf32>
    %reduce_sum3A_155 = vector.multi_reduction <add>, %mul3A_153, %reduce_sum3A_154 [1] : vector<4096x128xf32> to vector<4096xf32>
    %broadcast_in_dim3A_156 = vector.shape_cast %reduce_sum3A_155 : vector<4096xf32> to vector<4096x1xf32>
    %div3A_157 = arith.constant 1.280000e+02 : f32
    %div3A_158 = vector.broadcast %div3A_157 : f32 to vector<4096x1xf32>
    %div3A_159 = arith.divf %broadcast_in_dim3A_156, %div3A_158 : vector<4096x1xf32>
    %add3A_160 = arith.constant 9.99999974E-6 : f32
    %add3A_161 = vector.broadcast %add3A_160 : f32 to vector<4096x1xf32>
    %add3A_162 = arith.addf %div3A_159, %add3A_161 : vector<4096x1xf32>
    %rsqrt3A_163 = math.rsqrt %add3A_162 : vector<4096x1xf32>
    %mul3A_164 = vector.broadcast %rsqrt3A_163 : vector<4096x1xf32> to vector<4096x128xf32>
    %mul3A_165 = arith.mulf %sub3A_152, %mul3A_164 : vector<4096x128xf32>
    %mul3A_166 = vector.broadcast %reshape3A : vector<1x128xf32> to vector<4096x128xf32>
    %mul3A_167 = arith.mulf %mul3A_165, %mul3A_166 : vector<4096x128xf32>
    %add3A_168 = vector.broadcast %reshape3A_4 : vector<1x128xf32> to vector<4096x128xf32>
    %add3A_169 = arith.addf %mul3A_167, %add3A_168 : vector<4096x128xf32>
    %swap3A_170 = arith.index_cast %rem3A_0 : i32 to index
    %swap3A_171 = arith.constant 0 : index
    %swap3A_172 = arith.constant 0 : index
    %swap3A_173 = vector.load %arg18[%swap3A_170, %swap3A_171, %swap3A_172] : memref<2x4096x128xf32, #tpu.memory_space<vmem>>, vector<1x4096x128xf32>
    %swap3A_174 = vector.shape_cast %swap3A_173 : vector<1x4096x128xf32> to vector<4096x128xf32>
    %swap3A_175 = vector.shape_cast %add3A_169 : vector<4096x128xf32> to vector<1x4096x128xf32>
    tpu.vector_store %arg18[%swap3A_170, %swap3A_171, %swap3A_172], %swap3A_175 {strides = array<i32>} : memref<2x4096x128xf32, #tpu.memory_space<vmem>>, vector<1x4096x128xf32>,
    %mul3A_176 = arith.constant 4096 : i32
    %mul3A_177 = arith.muli %arg0, %mul3A_176 : i32
    %add3A_178 = arith.constant 8192 : i32
    %add3A_179 = arith.addi %add3A_178, %mul3A_177 : i32
    %dma_start3A = arith.constant 0 : i32
    %dma_start3A_180 = arith.constant 0 : i32
    %dma_start3A_181 = tpu.memref_slice %arg19[%dma_start3A_180, %rem3A_0] : memref<3x2x!tpu.dma_semaphore, #tpu.memory_space<semaphore_mem>> -> memref<1x1x!tpu.dma_semaphore, #tpu.memory_space<semaphore_mem>>
    %dma_start3A_182 = tpu.memref_squeeze %dma_start3A_181 : memref<1x1x!tpu.dma_semaphore, #tpu.memory_space<semaphore_mem>> -> memref<!tpu.dma_semaphore, #tpu.memory_space<semaphore_mem>>
    %dma_start3A_183 = arith.constant 0 : i32
    %dma_start3A_184 = tpu.memref_slice %arg15[%add3A_179, %dma_start3A, %dma_start3A_183] : memref<16384x3x128xf32, #tpu.memory_space<any>> -> memref<4096x1x128xf32, #tpu.memory_space<any>>
    %dma_start3A_185 = tpu.memref_squeeze %dma_start3A_184 : memref<4096x1x128xf32, #tpu.memory_space<any>> -> memref<4096x128xf32, #tpu.memory_space<any>>
    tpu.enqueue_dma source(%arg16 : memref<4096x128xf32, #tpu.memory_space<vmem>>) target(%dma_start3A_185 : memref<4096x128xf32, #tpu.memory_space<any>>) target_semaphore(%dma_start3A_182 : memref<!tpu.dma_semaphore, #tpu.memory_space<semaphore_mem>>)
    %mul3A_186 = arith.constant 4096 : i32
    %mul3A_187 = arith.muli %arg0, %mul3A_186 : i32
    %add3A_188 = arith.constant 8192 : i32
    %add3A_189 = arith.addi %add3A_188, %mul3A_187 : i32
    %dma_start3A_190 = arith.constant 1 : i32
    %dma_start3A_191 = arith.constant 1 : i32
    %dma_start3A_192 = tpu.memref_slice %arg19[%dma_start3A_191, %rem3A_0] : memref<3x2x!tpu.dma_semaphore, #tpu.memory_space<semaphore_mem>> -> memref<1x1x!tpu.dma_semaphore, #tpu.memory_space<semaphore_mem>>
    %dma_start3A_193 = tpu.memref_squeeze %dma_start3A_192 : memref<1x1x!tpu.dma_semaphore, #tpu.memory_space<semaphore_mem>> -> memref<!tpu.dma_semaphore, #tpu.memory_space<semaphore_mem>>
    %dma_start3A_194 = arith.constant 0 : i32
    %dma_start3A_195 = tpu.memref_slice %arg15[%add3A_189, %dma_start3A_190, %dma_start3A_194] : memref<16384x3x128xf32, #tpu.memory_space<any>> -> memref<4096x1x128xf32, #tpu.memory_space<any>>
    %dma_start3A_196 = tpu.memref_squeeze %dma_start3A_195 : memref<4096x1x128xf32, #tpu.memory_space<any>> -> memref<4096x128xf32, #tpu.memory_space<any>>
    %dma_start3A_197 = arith.constant 0 : i32
    %dma_start3A_198 = arith.constant 0 : i32
    %dma_start3A_199 = tpu.memref_slice %arg17[%rem3A_0, %dma_start3A_197, %dma_start3A_198] : memref<2x4096x128xf32, #tpu.memory_space<vmem>> -> memref<1x4096x128xf32, #tpu.memory_space<vmem>>
    %dma_start3A_200 = tpu.memref_squeeze %dma_start3A_199 : memref<1x4096x128xf32, #tpu.memory_space<vmem>> -> memref<4096x128xf32, #tpu.memory_space<vmem>>
    tpu.enqueue_dma source(%dma_start3A_200 : memref<4096x128xf32, #tpu.memory_space<vmem>>) target(%dma_start3A_196 : memref<4096x128xf32, #tpu.memory_space<any>>) target_semaphore(%dma_start3A_193 : memref<!tpu.dma_semaphore, #tpu.memory_space<semaphore_mem>>)
    %mul3A_201 = arith.constant 4096 : i32
    %mul3A_202 = arith.muli %arg0, %mul3A_201 : i32
    %add3A_203 = arith.constant 8192 : i32
    %add3A_204 = arith.addi %add3A_203, %mul3A_202 : i32
    %dma_start3A_205 = arith.constant 2 : i32
    %dma_start3A_206 = arith.constant 2 : i32
    %dma_start3A_207 = tpu.memref_slice %arg19[%dma_start3A_206, %rem3A_0] : memref<3x2x!tpu.dma_semaphore, #tpu.memory_space<semaphore_mem>> -> memref<1x1x!tpu.dma_semaphore, #tpu.memory_space<semaphore_mem>>
    %dma_start3A_208 = tpu.memref_squeeze %dma_start3A_207 : memref<1x1x!tpu.dma_semaphore, #tpu.memory_space<semaphore_mem>> -> memref<!tpu.dma_semaphore, #tpu.memory_space<semaphore_mem>>
    %dma_start3A_209 = arith.constant 0 : i32
    %dma_start3A_210 = tpu.memref_slice %arg15[%add3A_204, %dma_start3A_205, %dma_start3A_209] : memref<16384x3x128xf32, #tpu.memory_space<any>> -> memref<4096x1x128xf32, #tpu.memory_space<any>>
    %dma_start3A_211 = tpu.memref_squeeze %dma_start3A_210 : memref<4096x1x128xf32, #tpu.memory_space<any>> -> memref<4096x128xf32, #tpu.memory_space<any>>
    %dma_start3A_212 = arith.constant 0 : i32
    %dma_start3A_213 = arith.constant 0 : i32
    %dma_start3A_214 = tpu.memref_slice %arg18[%rem3A_0, %dma_start3A_212, %dma_start3A_213] : memref<2x4096x128xf32, #tpu.memory_space<vmem>> -> memref<1x4096x128xf32, #tpu.memory_space<vmem>>
    %dma_start3A_215 = tpu.memref_squeeze %dma_start3A_214 : memref<1x4096x128xf32, #tpu.memory_space<vmem>> -> memref<4096x128xf32, #tpu.memory_space<vmem>>
    tpu.enqueue_dma source(%dma_start3A_215 : memref<4096x128xf32, #tpu.memory_space<vmem>>) target(%dma_start3A_211 : memref<4096x128xf32, #tpu.memory_space<any>>) target_semaphore(%dma_start3A_208 : memref<!tpu.dma_semaphore, #tpu.memory_space<semaphore_mem>>)
    %eq3A_216 = arith.constant 1 : i32
    %eq3A_217 = arith.cmpi eq, %arg0, %eq3A_216 : i32
    %convert_element_type3A_218 = arith.extui %eq3A_217 : i1 to i32
    %cond3A_219 = arith.constant 0 : i32
    %cond3A_220 = arith.cmpi ne, %convert_element_type3A_218, %cond3A_219 : i32
    scf.if %cond3A_220 {
      %sub3A_221 = arith.constant 1 : i32
      %sub3A_222 = arith.subi %arg0, %sub3A_221 : i32
      %sub3A_223 = arith.constant 1 : i32
      %sub3A_224 = arith.subi %sub3A_223, %rem3A_0 : i32
      %mul3A_225 = arith.constant 4096 : i32
      %mul3A_226 = arith.muli %sub3A_222, %mul3A_225 : i32
      %add3A_227 = arith.constant 8192 : i32
      %add3A_228 = arith.addi %add3A_227, %mul3A_226 : i32
      %dma_wait3A = arith.constant 0 : i32
      %dma_wait3A_229 = arith.constant 0 : i32
      %dma_wait3A_230 = tpu.memref_slice %arg19[%dma_wait3A_229, %sub3A_224] : memref<3x2x!tpu.dma_semaphore, #tpu.memory_space<semaphore_mem>> -> memref<1x1x!tpu.dma_semaphore, #tpu.memory_space<semaphore_mem>>
      %dma_wait3A_231 = tpu.memref_squeeze %dma_wait3A_230 : memref<1x1x!tpu.dma_semaphore, #tpu.memory_space<semaphore_mem>> -> memref<!tpu.dma_semaphore, #tpu.memory_space<semaphore_mem>>
      %dma_wait3A_232 = arith.constant 0 : i32
      %dma_wait3A_233 = tpu.memref_slice %arg15[%add3A_228, %dma_wait3A, %dma_wait3A_232] : memref<16384x3x128xf32, #tpu.memory_space<any>> -> memref<4096x1x128xf32, #tpu.memory_space<any>>
      %dma_wait3A_234 = tpu.memref_squeeze %dma_wait3A_233 : memref<4096x1x128xf32, #tpu.memory_space<any>> -> memref<4096x128xf32, #tpu.memory_space<any>>
      tpu.wait_dma2 semaphore(%dma_wait3A_231 : memref<!tpu.dma_semaphore, #tpu.memory_space<semaphore_mem>>) src(%arg16 : memref<4096x128xf32, #tpu.memory_space<vmem>>) dst(%dma_wait3A_234 : memref<4096x128xf32, #tpu.memory_space<any>>)
      %mul3A_235 = arith.constant 4096 : i32
      %mul3A_236 = arith.muli %sub3A_222, %mul3A_235 : i32
      %add3A_237 = arith.constant 8192 : i32
      %add3A_238 = arith.addi %add3A_237, %mul3A_236 : i32
      %dma_wait3A_239 = arith.constant 1 : i32
      %dma_wait3A_240 = arith.constant 1 : i32
      %dma_wait3A_241 = tpu.memref_slice %arg19[%dma_wait3A_240, %sub3A_224] : memref<3x2x!tpu.dma_semaphore, #tpu.memory_space<semaphore_mem>> -> memref<1x1x!tpu.dma_semaphore, #tpu.memory_space<semaphore_mem>>
      %dma_wait3A_242 = tpu.memref_squeeze %dma_wait3A_241 : memref<1x1x!tpu.dma_semaphore, #tpu.memory_space<semaphore_mem>> -> memref<!tpu.dma_semaphore, #tpu.memory_space<semaphore_mem>>
      %dma_wait3A_243 = arith.constant 0 : i32
      %dma_wait3A_244 = tpu.memref_slice %arg15[%add3A_238, %dma_wait3A_239, %dma_wait3A_243] : memref<16384x3x128xf32, #tpu.memory_space<any>> -> memref<4096x1x128xf32, #tpu.memory_space<any>>
      %dma_wait3A_245 = tpu.memref_squeeze %dma_wait3A_244 : memref<4096x1x128xf32, #tpu.memory_space<any>> -> memref<4096x128xf32, #tpu.memory_space<any>>
      %dma_wait3A_246 = arith.constant 0 : i32
      %dma_wait3A_247 = arith.constant 0 : i32
      %dma_wait3A_248 = tpu.memref_slice %arg17[%sub3A_224, %dma_wait3A_246, %dma_wait3A_247] : memref<2x4096x128xf32, #tpu.memory_space<vmem>> -> memref<1x4096x128xf32, #tpu.memory_space<vmem>>
      %dma_wait3A_249 = tpu.memref_squeeze %dma_wait3A_248 : memref<1x4096x128xf32, #tpu.memory_space<vmem>> -> memref<4096x128xf32, #tpu.memory_space<vmem>>
      tpu.wait_dma2 semaphore(%dma_wait3A_242 : memref<!tpu.dma_semaphore, #tpu.memory_space<semaphore_mem>>) src(%dma_wait3A_249 : memref<4096x128xf32, #tpu.memory_space<vmem>>) dst(%dma_wait3A_245 : memref<4096x128xf32, #tpu.memory_space<any>>)
      %mul3A_250 = arith.constant 4096 : i32
      %mul3A_251 = arith.muli %sub3A_222, %mul3A_250 : i32
      %add3A_252 = arith.constant 8192 : i32
      %add3A_253 = arith.addi %add3A_252, %mul3A_251 : i32
      %dma_wait3A_254 = arith.constant 2 : i32
      %dma_wait3A_255 = arith.constant 2 : i32
      %dma_wait3A_256 = tpu.memref_slice %arg19[%dma_wait3A_255, %sub3A_224] : memref<3x2x!tpu.dma_semaphore, #tpu.memory_space<semaphore_mem>> -> memref<1x1x!tpu.dma_semaphore, #tpu.memory_space<semaphore_mem>>
      %dma_wait3A_257 = tpu.memref_squeeze %dma_wait3A_256 : memref<1x1x!tpu.dma_semaphore, #tpu.memory_space<semaphore_mem>> -> memref<!tpu.dma_semaphore, #tpu.memory_space<semaphore_mem>>
      %dma_wait3A_258 = arith.constant 0 : i32
      %dma_wait3A_259 = tpu.memref_slice %arg15[%add3A_253, %dma_wait3A_254, %dma_wait3A_258] : memref<16384x3x128xf32, #tpu.memory_space<any>> -> memref<4096x1x128xf32, #tpu.memory_space<any>>
      %dma_wait3A_260 = tpu.memref_squeeze %dma_wait3A_259 : memref<4096x1x128xf32, #tpu.memory_space<any>> -> memref<4096x128xf32, #tpu.memory_space<any>>
      %dma_wait3A_261 = arith.constant 0 : i32
      %dma_wait3A_262 = arith.constant 0 : i32
      %dma_wait3A_263 = tpu.memref_slice %arg18[%sub3A_224, %dma_wait3A_261, %dma_wait3A_262] : memref<2x4096x128xf32, #tpu.memory_space<vmem>> -> memref<1x4096x128xf32, #tpu.memory_space<vmem>>
      %dma_wait3A_264 = tpu.memref_squeeze %dma_wait3A_263 : memref<1x4096x128xf32, #tpu.memory_space<vmem>> -> memref<4096x128xf32, #tpu.memory_space<vmem>>
      tpu.wait_dma2 semaphore(%dma_wait3A_257 : memref<!tpu.dma_semaphore, #tpu.memory_space<semaphore_mem>>) src(%dma_wait3A_264 : memref<4096x128xf32, #tpu.memory_space<vmem>>) dst(%dma_wait3A_260 : memref<4096x128xf32, #tpu.memory_space<any>>)
      %mul3A_265 = arith.constant 4096 : i32
      %mul3A_266 = arith.muli %arg0, %mul3A_265 : i32
      %add3A_267 = arith.constant 8192 : i32
      %add3A_268 = arith.addi %add3A_267, %mul3A_266 : i32
      %dma_wait3A_269 = arith.constant 0 : i32
      %dma_wait3A_270 = arith.constant 0 : i32
      %dma_wait3A_271 = tpu.memref_slice %arg19[%dma_wait3A_270, %rem3A_0] : memref<3x2x!tpu.dma_semaphore, #tpu.memory_space<semaphore_mem>> -> memref<1x1x!tpu.dma_semaphore, #tpu.memory_space<semaphore_mem>>
      %dma_wait3A_272 = tpu.memref_squeeze %dma_wait3A_271 : memref<1x1x!tpu.dma_semaphore, #tpu.memory_space<semaphore_mem>> -> memref<!tpu.dma_semaphore, #tpu.memory_space<semaphore_mem>>
      %dma_wait3A_273 = arith.constant 0 : i32
      %dma_wait3A_274 = tpu.memref_slice %arg15[%add3A_268, %dma_wait3A_269, %dma_wait3A_273] : memref<16384x3x128xf32, #tpu.memory_space<any>> -> memref<4096x1x128xf32, #tpu.memory_space<any>>
      %dma_wait3A_275 = tpu.memref_squeeze %dma_wait3A_274 : memref<4096x1x128xf32, #tpu.memory_space<any>> -> memref<4096x128xf32, #tpu.memory_space<any>>
      tpu.wait_dma2 semaphore(%dma_wait3A_272 : memref<!tpu.dma_semaphore, #tpu.memory_space<semaphore_mem>>) src(%arg16 : memref<4096x128xf32, #tpu.memory_space<vmem>>) dst(%dma_wait3A_275 : memref<4096x128xf32, #tpu.memory_space<any>>)
      %mul3A_276 = arith.constant 4096 : i32
      %mul3A_277 = arith.muli %arg0, %mul3A_276 : i32
      %add3A_278 = arith.constant 8192 : i32
      %add3A_279 = arith.addi %add3A_278, %mul3A_277 : i32
      %dma_wait3A_280 = arith.constant 1 : i32
      %dma_wait3A_281 = arith.constant 1 : i32
      %dma_wait3A_282 = tpu.memref_slice %arg19[%dma_wait3A_281, %rem3A_0] : memref<3x2x!tpu.dma_semaphore, #tpu.memory_space<semaphore_mem>> -> memref<1x1x!tpu.dma_semaphore, #tpu.memory_space<semaphore_mem>>
      %dma_wait3A_283 = tpu.memref_squeeze %dma_wait3A_282 : memref<1x1x!tpu.dma_semaphore, #tpu.memory_space<semaphore_mem>> -> memref<!tpu.dma_semaphore, #tpu.memory_space<semaphore_mem>>
      %dma_wait3A_284 = arith.constant 0 : i32
      %dma_wait3A_285 = tpu.memref_slice %arg15[%add3A_279, %dma_wait3A_280, %dma_wait3A_284] : memref<16384x3x128xf32, #tpu.memory_space<any>> -> memref<4096x1x128xf32, #tpu.memory_space<any>>
      %dma_wait3A_286 = tpu.memref_squeeze %dma_wait3A_285 : memref<4096x1x128xf32, #tpu.memory_space<any>> -> memref<4096x128xf32, #tpu.memory_space<any>>
      %dma_wait3A_287 = arith.constant 0 : i32
      %dma_wait3A_288 = arith.constant 0 : i32
      %dma_wait3A_289 = tpu.memref_slice %arg17[%rem3A_0, %dma_wait3A_287, %dma_wait3A_288] : memref<2x4096x128xf32, #tpu.memory_space<vmem>> -> memref<1x4096x128xf32, #tpu.memory_space<vmem>>
      %dma_wait3A_290 = tpu.memref_squeeze %dma_wait3A_289 : memref<1x4096x128xf32, #tpu.memory_space<vmem>> -> memref<4096x128xf32, #tpu.memory_space<vmem>>
      tpu.wait_dma2 semaphore(%dma_wait3A_283 : memref<!tpu.dma_semaphore, #tpu.memory_space<semaphore_mem>>) src(%dma_wait3A_290 : memref<4096x128xf32, #tpu.memory_space<vmem>>) dst(%dma_wait3A_286 : memref<4096x128xf32, #tpu.memory_space<any>>)
      %mul3A_291 = arith.constant 4096 : i32
      %mul3A_292 = arith.muli %arg0, %mul3A_291 : i32
      %add3A_293 = arith.constant 8192 : i32
      %add3A_294 = arith.addi %add3A_293, %mul3A_292 : i32
      %dma_wait3A_295 = arith.constant 2 : i32
      %dma_wait3A_296 = arith.constant 2 : i32
      %dma_wait3A_297 = tpu.memref_slice %arg19[%dma_wait3A_296, %rem3A_0] : memref<3x2x!tpu.dma_semaphore, #tpu.memory_space<semaphore_mem>> -> memref<1x1x!tpu.dma_semaphore, #tpu.memory_space<semaphore_mem>>
      %dma_wait3A_298 = tpu.memref_squeeze %dma_wait3A_297 : memref<1x1x!tpu.dma_semaphore, #tpu.memory_space<semaphore_mem>> -> memref<!tpu.dma_semaphore, #tpu.memory_space<semaphore_mem>>
      %dma_wait3A_299 = arith.constant 0 : i32
      %dma_wait3A_300 = tpu.memref_slice %arg15[%add3A_294, %dma_wait3A_295, %dma_wait3A_299] : memref<16384x3x128xf32, #tpu.memory_space<any>> -> memref<4096x1x128xf32, #tpu.memory_space<any>>
      %dma_wait3A_301 = tpu.memref_squeeze %dma_wait3A_300 : memref<4096x1x128xf32, #tpu.memory_space<any>> -> memref<4096x128xf32, #tpu.memory_space<any>>
      %dma_wait3A_302 = arith.constant 0 : i32
      %dma_wait3A_303 = arith.constant 0 : i32
      %dma_wait3A_304 = tpu.memref_slice %arg18[%rem3A_0, %dma_wait3A_302, %dma_wait3A_303] : memref<2x4096x128xf32, #tpu.memory_space<vmem>> -> memref<1x4096x128xf32, #tpu.memory_space<vmem>>
      %dma_wait3A_305 = tpu.memref_squeeze %dma_wait3A_304 : memref<1x4096x128xf32, #tpu.memory_space<vmem>> -> memref<4096x128xf32, #tpu.memory_space<vmem>>
      tpu.wait_dma2 semaphore(%dma_wait3A_298 : memref<!tpu.dma_semaphore, #tpu.memory_space<semaphore_mem>>) src(%dma_wait3A_305 : memref<4096x128xf32, #tpu.memory_space<vmem>>) dst(%dma_wait3A_301 : memref<4096x128xf32, #tpu.memory_space<any>>)
    } else {
    }
    return
  }
  func.func @transform_1(%arg0: i32) -> (i32, i32) {
    %c0_i32 = arith.constant 0 : i32
    %c0_i32_0 = arith.constant 0 : i32
    return %arg0, %c0_i32 : i32, i32
  }
  func.func @transform_2(%arg0: i32) -> (i32, i32, i32) {
    %add3A = arith.constant 2 : i32
    %add3A_0 = arith.addi %add3A, %arg0 : i32
    %c0_i32 = arith.constant 0 : i32
    %c0_i32_1 = arith.constant 0 : i32
    %c0_i32_2 = arith.constant 0 : i32
    return %add3A_0, %c0_i32, %c0_i32_1 : i32, i32, i32
  }
  func.func @transform_3(%arg0: i32) -> (i32, i32) {
    %c0_i32 = arith.constant 0 : i32
    %c0_i32_0 = arith.constant 0 : i32
    %c0_i32_1 = arith.constant 0 : i32
    return %c0_i32, %c0_i32_0 : i32, i32
  }
  func.func @transform_4(%arg0: i32) -> i32 {
    %c0_i32 = arith.constant 0 : i32
    %c0_i32_0 = arith.constant 0 : i32
    return %c0_i32 : i32
  }
  func.func @transform_5(%arg0: i32) -> (i32, i32) {
    %c0_i32 = arith.constant 0 : i32
    %c0_i32_0 = arith.constant 0 : i32
    %c0_i32_1 = arith.constant 0 : i32
    return %c0_i32, %c0_i32_0 : i32, i32
  }
  func.func @transform_6(%arg0: i32) -> i32 {
    %c0_i32 = arith.constant 0 : i32
    %c0_i32_0 = arith.constant 0 : i32
    return %c0_i32 : i32
  }
  func.func @transform_7(%arg0: i32) -> (i32, i32) {
    %c0_i32 = arith.constant 0 : i32
    %c0_i32_0 = arith.constant 0 : i32
    %c0_i32_1 = arith.constant 0 : i32
    return %c0_i32, %c0_i32_0 : i32, i32
  }
  func.func @transform_8(%arg0: i32) -> i32 {
    %c0_i32 = arith.constant 0 : i32
    %c0_i32_0 = arith.constant 0 : i32
    return %c0_i32 : i32
  }
  func.func @transform_9(%arg0: i32) -> (i32, i32) {
    %c0_i32 = arith.constant 0 : i32
    %c0_i32_0 = arith.constant 0 : i32
    %c0_i32_1 = arith.constant 0 : i32
    return %c0_i32, %c0_i32_0 : i32, i32
  }
  func.func @transform_10(%arg0: i32) -> i32 {
    %c0_i32 = arith.constant 0 : i32
    %c0_i32_0 = arith.constant 0 : i32
    return %c0_i32 : i32
  }
  func.func @transform_11(%arg0: i32) -> (i32, i32, i32) {
    %c0_i32 = arith.constant 0 : i32
    %c0_i32_0 = arith.constant 0 : i32
    %c0_i32_1 = arith.constant 0 : i32
    %c0_i32_2 = arith.constant 0 : i32
    return %c0_i32, %c0_i32_0, %c0_i32_1 : i32, i32, i32
  }
  func.func @transform_12(%arg0: i32) -> i32 {
    %c0_i32 = arith.constant 0 : i32
    %c0_i32_0 = arith.constant 0 : i32
    return %c0_i32 : i32
  }
  func.func @transform_13(%arg0: i32) -> i32 {
    %c0_i32 = arith.constant 0 : i32
    %c0_i32_0 = arith.constant 0 : i32
    return %c0_i32 : i32
  }
}

</mosaic_0001>

<sc_bundles>
// kernel: kernel.6.cloned.1.call-start
scs
__scs_entry_jumppad:
0x0: {  	(pc) =	sbr.rel $0x88, $3  }
0x1: {  	(tag) =	ssettag $0x0;
	lr =	simm.s32 $0x1  }
0x2: {  	[smem:$0x3F93] =	sst lr;
	_ =	strace $0xD0000000  }
0x3: {  	_ = 	snop  }
0x4: {  	_ = 	snop  }
0x5: {  	_ = 	snop  }
0x6: {  	_ = 	snop  }
0x7: {  	_ = 	snop  }
__scs_overlays_trampoline_lowered:
0x8: {  	[smem:$0x3FA2] =	sst s0  }
0x9: {  	[smem:$0x3FA3] =	sst s1  }
0xa: {  	[smem:$0x3FA4] =	sst s2  }
0xb: {  	[smem:$0x3FA5] =	sst s3  }
0xc: {  	[smem:$0x3FA6] =	sst s4  }
0xd: {  	[smem:$0x3FA7] =	sst s5  }
0xe: {  	[smem:$0x3FA8] =	sst s6  }
0xf: {  	[smem:$0x3FA9] =	sst s7  }
0x10: {  	[smem:$0x3FAA] =	sst s8  }
0x11: {  	[smem:$0x3FAB] =	sst s9;
	s0 =	simm.s32 @!p0 $0x0  }
0x12: {  	s1 =	sld [smem:$0x3F91];
	s0 =	simm.s32 @p0 $0x1  }
0x13: {  	[smem:$0x3FAC] =	sst s0;
	s0 =	simm.s32 @!p1 $0x0  }
0x14: {  	s2 =	sld [smem:$0x3F90];
	s0 =	simm.s32 @p1 $0x1  }
0x15: {  	[smem:$0x3FAD] =	sst s0;
	s0 =	simm.s32 @!p2 $0x0  }
0x16: {  	s3 =	sld [smem:$0x3FDB];
	s0 =	simm.s32 @p2 $0x1  }
0x17: {  	s4 =	simm.s32 $0x1BF5;
	[smem:$0x3FAF] =	sst s0  }
0x18: {  	s0 =	sld [smem:$0x3F92];
	_ =	swait.ge [sflag:s4], $0x0  }
0x19: {  	s7 =	sld [smem:$0x3F93]  }
0x1a: {  	s8 =	sadd.s32 $0xFFFFE003, lr  }
0x1b: {  	s9 =	sadd.s32 $0xFFFFFEF7, lr;
	s5 =	simm.s32 $0xFFFFFFFF;
	p2 =	slt.u32 s8, $0xFFFFF086  }
0x1c: {  	p1 =	slt.u32 s9, $0xF7A;
	s5 =	simm.s32 @!p2 $0x0  }
0x1d: {  	s5 =	simm.s32 @p1 $0x1;
	p0 =	seq.s32 s7, s2  }
0x1e: {  	s7 =	smul.u32 @!p0 $0xF7A, s2;
	p2 =	seq.s32 @!p0 s5, $0x0  }
0x1f: {  	s9 =	smul.u32 $0xF7A, s1;
	s8 =	simm.s32 @!p0 $0x1BF5;
	p2 =	por !p2, p0  }
0x20: {  	[sflag:s8] =	ssyncset.s32 @!p0 $0xFFFFF086;
	s6 =	sadd.s32 @!p0 s3, s7;
	s7 =	simm.s32 @!p0 $0x108  }
0x21: {  	s3 =	sadd.s32 s3, s9;
	s6 =	sadd.s32 @!p0 $0x88, s6;
	s7 =	simm.s32 @p2 $0x1082  }
0x22: {  	[simem:s7], [sflag:s8] =	dma.local @!p0 [hbm:s6], $0xF7A  }
0x23: {  	s9 =	sor.u32 $0xD0000000, s2;
	s6 =	simm.s32 $0x108;
	_ =	swait.ge @!p0 [sflag:s8], $0x0  }
0x24: {  	s3 =	sadd.s32 $0x88, s3;
	s6 =	simm.s32 @!p1 $0x1082;
	[sflag:s4] =	ssyncset.s32 $0xFFFFF086  }
0x25: {  	[simem:s6], [sflag:s4] =	dma.local [hbm:s3], $0xF7A  }
0x26: {  	[smem:$0x3F93] =	sst s1;
	(tag) =	ssettag s2;
	_ =	strace s9  }
0x27: {  	s1 =	sld [smem:$0x3FA3]  }
0x28: {  	s2 =	sld [smem:$0x3FA4]  }
0x29: {  	s4 =	sld [smem:$0x3FA6]  }
0x2a: {  	p0 =	seq.s32 s5, $0x0;
	s5 =	sld [smem:$0x3FA7]  }
0x2b: {  	s6 =	sld [smem:$0x3FA8]  }
0x2c: {  	s7 =	sld [smem:$0x3FA9]  }
0x2d: {  	s3 =	simm.s32 $0x108;
	s8 =	sld [smem:$0x3FAA]  }
0x2e: {  	s3 =	simm.s32 @!p0 $0x1082;
	s9 =	sld [smem:$0x3FAB]  }
0x2f: {  	lr =	sadd.s32 s0, s3;
	s0 =	sld [smem:$0x3FA2]  }
0x30: {  	s3 =	sld [smem:$0x3FA5]  }
0x31: {  	[smem:$0x3FAE] =	sst s10  }
0x32: {  	s10 =	sld [smem:$0x3FAC];
	_ =	sdelay $0x3  }
0x33: {  	p0 =	seq.s32 s10, $0x1;
	s10 =	sld [smem:$0x3FAE];
	_ =	sdelay $0x3  }
0x34: {  	[smem:$0x3FAE] =	sst s10  }
0x35: {  	s10 =	sld [smem:$0x3FAD];
	_ =	sdelay $0x3  }
0x36: {  	p1 =	seq.s32 s10, $0x1;
	s10 =	sld [smem:$0x3FAE];
	_ =	sdelay $0x3  }
0x37: {  	[smem:$0x3FAE] =	sst s10  }
0x38: {  	s10 =	sld [smem:$0x3FAF]  }
0x39: {  	_ = 	snop;
	(pc) =	sbr.ind lr, $3  }
0x3a: {  	_ = 	snop  }
0x3b: {  	_ = 	snop  }
0x3c: {  	p2 =	seq.s32 s10, $0x1;
	s10 =	sld [smem:$0x3FAE]  }
0x3d: {  	_ =	shalt  }
0x3e: {  	_ =	shalt  }
0x3f: {  	_ =	shalt  }
0x40: {  	_ =	shalt  }
0x41: {  	_ =	shalt  }
0x42: {  	_ =	shalt  }
0x43: {  	_ =	shalt  }
0x44: {  	_ =	shalt  }
0x45: {  	_ =	shalt  }
0x46: {  	_ =	shalt  }
0x47: {  	_ =	shalt  }
0x48: {  	_ =	shalt  }
0x49: {  	_ =	shalt  }
0x4a: {  	_ =	shalt  }
0x4b: {  	_ =	shalt  }
0x4c: {  	_ =	shalt  }
0x4d: {  	_ =	shalt  }
0x4e: {  	_ =	shalt  }
0x4f: {  	_ =	shalt  }
0x50: {  	_ =	shalt  }
0x51: {  	_ =	shalt  }
0x52: {  	_ =	shalt  }
0x53: {  	_ =	shalt  }
0x54: {  	_ =	shalt  }
0x55: {  	_ =	shalt  }
0x56: {  	_ =	shalt  }
0x57: {  	_ =	shalt  }
0x58: {  	_ =	shalt  }
0x59: {  	_ =	shalt  }
0x5a: {  	_ =	shalt  }
0x5b: {  	_ =	shalt  }
0x5c: {  	_ =	shalt  }
0x5d: {  	_ =	shalt  }
0x5e: {  	_ =	shalt  }
0x5f: {  	_ =	shalt  }
0x60: {  	_ =	shalt  }
0x61: {  	_ =	shalt  }
0x62: {  	_ =	shalt  }
0x63: {  	_ =	shalt  }
0x64: {  	_ =	shalt  }
0x65: {  	_ =	shalt  }
0x66: {  	_ =	shalt  }
0x67: {  	_ =	shalt  }
0x68: {  	_ =	shalt  }
0x69: {  	_ =	shalt  }
0x6a: {  	_ =	shalt  }
0x6b: {  	_ =	shalt  }
0x6c: {  	_ =	shalt  }
0x6d: {  	_ =	shalt  }
0x6e: {  	_ =	shalt  }
0x6f: {  	_ =	shalt  }
0x70: {  	_ =	shalt  }
0x71: {  	_ =	shalt  }
0x72: {  	_ =	shalt  }
0x73: {  	_ =	shalt  }
0x74: {  	_ =	shalt  }
0x75: {  	_ =	shalt  }
0x76: {  	_ =	shalt  }
0x77: {  	_ =	shalt  }
0x78: {  	_ =	shalt  }
0x79: {  	_ =	shalt  }
0x7a: {  	_ =	shalt  }
0x7b: {  	_ =	shalt  }
0x7c: {  	_ =	shalt  }
0x7d: {  	_ =	shalt  }
0x7e: {  	_ =	shalt  }
0x7f: {  	_ =	shalt  }
0x80: {  	_ =	shalt  }
0x81: {  	_ =	shalt  }
0x82: {  	_ =	shalt  }
0x83: {  	_ =	shalt  }
0x84: {  	_ =	shalt  }
0x85: {  	_ =	shalt  }
0x86: {  	_ =	shalt  }
0x87: {  	_ =	shalt  }
.Lfunc_end0:
.L_simem_size_0:
called_computation_lowered:
.L_overlay_start_0:
0x88: {  	s2 =	sld [smem:$0x3FD9]  }
0x89: {  	s3 =	sld [smem:$0x3FFE];
	_ =	sdelay $0x1  }
0x8a: {  	s1 =	srdreg.scid  }
0x8b: {  	s0 =	sand.u32 $0x1, s1  }
0x8c: {  	s17 =	sshll.u32 s0, $0xA;
	s2 =	sadd.s32 s3, s2  }
0x8d: {  	s2 =	sadd.s32 s2, s17  }
0x8e: {  	[smem:$0x3FBA] =	sst s2  }
0x8f: {  	_ = 	snop  }
0x90: {  	s2 =	sld [smem:$0x3FC9]  }
0x91: {  	s18 =	sld [smem:$0x3FC7];
	(tm) =	ssettm $0x1  }
0x92: {  	s4 =	sld [smem:$0x3FFB];
	_ =	sdelay $0x3  }
0x93: {  	_ =	strace s4  }
0x94: {  	s4 =	sld [smem:$0x3FFC];
	_ =	sdelay $0x3  }
0x95: {  	_ =	strace s4  }
0x96: {  	s4 =	sld [smem:$0x3FFD];
	_ =	sdelay $0x3  }
0x97: {  	_ =	strace s4  }
0x98: {  	_ =	strace $0x8FFFFFFF  }
0x99: {  	s19 =	sld [smem:$0x3FDB];
	_ =	sdelay $0x1  }
0x9a: {  	s5 =	simm.s32 $_scs_section_size  }
0x9b: {  	s6 =	simm.s32 $_size__tile_overlayer_lowered;
	s7 =	simm.s32 $_tile_overlayer_lowered  }
0x9c: {  	s22 =	simm.s32 $0x1BFF;
	s21 =	sshll.u32 s7, $0x1;
	s4 =	sadd.s32 s5, s19  }
0x9d: {  	s8 =	simm.s32 $0x0;
	s20 =	sshll.u32 s6, $0x1;
	s6 =	sadd.s32 s21, s4  }
0x9e: {  	[timem:s8], [sflag:s22] =	dma.local [hbm:s6], s20  }
0x9f: {  	_ =	swait.ge [sflag:s22], s20  }
0xa0: {  	s5 =	ssub.s32 $0x0, s20;
	[sflag:s22] =	ssyncset.done $0x0  }
0xa1: {  	[sflag:s22] =	ssyncadd.s32 s5;
	_ =	sdelay $0x1  }
0xa2: {  	s23 =	simm.s32 $0x1B8B  }
0xa3: {  	_ =	swait.ge [sflag:s23], $0x1  }
0xa4: {  	[sflag:s23] =	ssyncset.done $0x0  }
0xa5: {  	s25 =	simm.s32 $0x1B8E;
	s24 =	sld [smem:$0x3FFE];
	[sflag:s23] =	ssyncadd.s32 $0xFFFFFFFF  }
0xa6: {  	s26 =	simm.s32 $execute0_lowered;
	[smem:$0x3FD2] =	sst s25  }
0xa7: {  	s6 =	sshll.u32 s26, $0x1;
	_ =	strace $0x80000046;
	[dreg:$0x1] =	wrdreg $0xFFFFFFFF  }
0xa8: {  	s28 =	simm.s32 $_size_execute0_lowered;
	s4 =	sadd.s32 s4, s6;
	[dreg:$0x0] =	wrdreg $0x0  }
0xa9: {  	s6 =	sshll.u32 s28, $0x1;
	[dreg:$0x2] =	wrdreg s4  }
0xaa: {  	[dreg:$0x3] =	wrdreg s6  }
0xab: {  	[dreg:$0x4] =	wrdreg $0xC0  }
0xac: {  	_ =	task [dreg:s8], $0x5FFFF  }
0xad: {  	[dreg:$0x1] =	wrdreg $0xFFFFFFFF  }
0xae: {  	[dreg:$0x0] =	wrdreg $0x60  }
0xaf: {  	[dreg:$0x2] =	wrdreg s18  }
0xb0: {  	[dreg:$0x3] =	wrdreg s2  }
0xb1: {  	[dreg:$0x4] =	wrdreg s24  }
0xb2: {  	[dreg:$0x5] =	wrdreg $0x9  }
0xb3: {  	_ =	task.clear_ibuf [dreg:s8], $0x6FFFF;
	_ =	strace $0x90000046  }
0xb4: {  	s29 =	simm.s32 $0x9;
	_ =	strace $0x80000048  }
0xb5: {  	_ =	swait.ge [sflag:s29], $0x1  }
0xb6: {  	[sflag:s29] =	ssyncadd.s32 $0xFFFFFFFF  }
0xb7: {  	_ =	strace $0x90000048  }
0xb8: {  	_ =	sfence  }
0xb9: {  	s30 =	sld [smem:$0x0];
	_ =	sdelay $0x2  }
0xba: {  	s31 =	sshll.u32 s1, $0xD;
	s1 =	sshrl.u32 s1, $0x2  }
0xbb: {  	s3 =	sand.u32 $0x4000, s31;
	s1 =	sadd.s32 s1, s30  }
0xbc: {  	s0 =	sor.u32 s3, s0;
	s1 =	sshll.u32 s1, $0x11  }
0xbd: {  	s0 =	sor.u32 s1, s0  }
0xbe: {  	s0 =	sadd.s32 $0x8F2B, s0  }
0xbf: {  	[sflag:s0] =	ssyncadd.remote.s32 $0x1  }
0xc0: {  	_ =	sfence.sel $0xFFFF  }
0xc1: {  	[dreg:$0x0] =	wrdreg $0xFFFFFFFF;
	(pc) =	sbr.abs _section_cstart, $3  }
0xc2: {  	[dreg:$0x1] =	wrdreg $0xFFFFFFFF  }
0xc3: {  	_ =	task.clear_ibuf [dreg:s8], $0x2FFFF;
	_ =	strace $0x9FFFFFFF  }
0xc4: {  	(tm) =	ssettm $0x7FFFFFFF  }
0xc5: {  	_ =	shalt  }
tec
execute0_lowered:
.L_overlay_start_1:
0x0: {  	(tag) =	ssettag $0x1  }
0x1: {  	s1 =	rddreg [dreg:$0x0];
	s2 =	srdreg.scid  }
0x2: {  	s4 =	rddreg [dreg:$0x1];
	s0 =	stileid.u32;
	s10 =	sand.u32 $0x1, s2  }
0x3: {  	s11 =	rddreg [dreg:$0x2];
	s5 =	sshll.u32 s0, $0x9;
	s6 =	sshll.u32 s10, $0x8  }
0x4: {  	s3 =	simm.s32 $0x0;
	s2 =	rddreg [dreg:$0x3];
	s12 =	sor.u32 s6, s5  }
0x5: {  	[smem:$0x7FF] =	sst s3;
	s5 =	sshrl.u32 s12, $0x3  }
0x6: {  	_ =	strace $0x80000047;
	s5 =	sadd.s32 s4, s5;
	s4 =	simm.s32 $0x2  }
0x7: {  	[tilespmem:s3], [sflag:$0x2] =	stream.linear.gather [hbm4b:s5+s3], $0x100, $0x38;
	[tilespmem:$0x8100] =	vst v63  }
0x8: {  	_ =	swait.ge [sflag:s4], $0x100  }
0x9: {  	[sflag:s4] =	ssyncset.done $0x0  }
0xa: {  	s7 =	simm.s32 $0x100;
	s6 =	simm.s32 $0x80;
	[sflag:s4] =	ssyncadd.s32 $0xFFFFFF00  }
0xb: {  	[tilespmem:s7], [sflag:$0x1] =	stream.indirect.gather [hbm4b:s1+s6], $0x80, s3, s6, $0xb8;
	[tilespmem:$0x8100] =	vst v63  }
0xc: {  	s8 =	simm.s32 $0x4100;
	s9 =	simm.s32 $0x1;
	s10 =	ssub.s32 $0x2, s10  }
0xd: {  	[tilespmem:s8], [sflag:$0x1] =	stream.indirect.gather [hbm4b:s1+s6], $0x80, s6, s6, $0xb8;
	[tilespmem:$0x8100] =	vst v63  }
0xe: {  	s13 =	sshrl.u32 s10, $0x1;
	_ =	swait.ge [sflag:s9], $0x4000  }
0xf: {  	s30 =	ssub.s32 s10, s13;
	[sflag:s9] =	ssyncset.done $0x0  }
0x10: {  	s31 =	smax.u32 s30, $0x1;
	[sflag:s9] =	ssyncadd.s32 $0xFFFFC000  }
0x11: {  	s12 =	sshll.u32 s12, $0x4;
	p0 =	sne.s32 s31, $0x1;
	_ =	swait.ge [sflag:s9], $0x4000  }
.Ltmp0:
0x12: {  	s11 =	sadd.s32 s12, s11;
	[sflag:s9] =	ssyncset.done $0x0;
	(pc) =	sbr.rel @!p0 .LBB2_2-.Ltmp0, $4  }
0x13: {  	s10 =	sadd.s32 $0x2400, s11;
	[sflag:s9] =	ssyncadd.s32 $0xFFFFC000  }
0x14: {  	[hbm4b:s10+s3] =	stream.linear.scatter [tilespmem:s7], [sflag:$0x2], $0x8000, $0x38;
	[tilespmem:$0x8100] =	vst v63  }
0x15: {  	_ =	swait.ge [sflag:s4], $0x8000  }
0x16: {  	s11 =	sadd.s32 $0xFFFFFFFF, s31;
	[sflag:s4] =	ssyncset.done $0x0  }
.LBB2_1:
0x17: {  	p0 =	sne.s32 s11, $0x1;
	s11 =	sadd.s32 $0xFFFFFFFF, s11;
	[sflag:s4] =	ssyncadd.s32 $0xFFFF8000  }
0x18: {  	[tilespmem:s3], [sflag:$0x2] =	stream.linear.gather [hbm4b:s5+s3], $0x100, $0x38;
	[tilespmem:$0x8100] =	vst v63  }
0x19: {  	_ =	swait.ge [sflag:s4], $0x100  }
0x1a: {  	[sflag:s4] =	ssyncset.done $0x0  }
0x1b: {  	[sflag:s4] =	ssyncadd.s32 $0xFFFFFF00  }
0x1c: {  	[tilespmem:s7], [sflag:$0x1] =	stream.indirect.gather [hbm4b:s1+s6], $0x80, s3, s6, $0xb8;
	[tilespmem:$0x8100] =	vst v63  }
0x1d: {  	_ = 	snop  }
0x1e: {  	[tilespmem:s8], [sflag:$0x1] =	stream.indirect.gather [hbm4b:s1+s6], $0x80, s6, s6, $0xb8;
	[tilespmem:$0x8100] =	vst v63  }
0x1f: {  	_ =	swait.ge [sflag:s9], $0x4000  }
0x20: {  	[sflag:s9] =	ssyncset.done $0x0  }
0x21: {  	[sflag:s9] =	ssyncadd.s32 $0xFFFFC000  }
0x22: {  	_ =	swait.ge [sflag:s9], $0x4000  }
.Ltmp1:
0x23: {  	[sflag:s9] =	ssyncset.done $0x0;
	(pc) =	sbr.rel @p0 .LBB2_1-.Ltmp1, $4  }
0x24: {  	[sflag:s9] =	ssyncadd.s32 $0xFFFFC000  }
0x25: {  	[hbm4b:s10+s3] =	stream.linear.scatter [tilespmem:s7], [sflag:$0x2], $0x8000, $0x38;
	[tilespmem:$0x8100] =	vst v63  }
0x26: {  	_ =	swait.ge [sflag:s4], $0x8000  }
0x27: {  	[sflag:s4] =	ssyncset.done $0x0  }
.LBB2_2:
0x28: {  	[sflag:s4] =	ssyncadd.s32 $0xFFFF8000  }
0x29: {  	_ =	sfence.sel $0x180000  }
0x2a: {  	[bflag:$0x0] =	sbarrier.arrive $0xFFFF  }
0x2b: {  	p0 =	sne.s32 s0, $0x0;
	_ =	strace $0x90000047  }
0x2c: {  	s0 =	sadd.s32 @!p0 $0x100000, s2;
	[bflag:$0x2] =	sbarrier.arrive $0xFFFF  }
0x2d: {  	[sflag:s0] =	ssyncadd.tile.s32 @!p0 $0x1;
	_ =	shalt  }
.Lfunc_end2:
_tile_overlayer_lowered:
.L_overlay_start_2:
0x2e: {  	(tag) =	ssettag $0x2  }
0x2f: {  	s0 =	rddreg [dreg:$0x0];
	s2 =	stileid.u32  }
0x30: {  	s1 =	rddreg [dreg:$0x1];
	p0 =	sne.s32 s2, $0x0  }
0x31: {  	s3 =	rddreg [dreg:$0x2];
	[bflag:$0x3] =	sbarrier.arrive $0xFFFF;
	s2 =	simm.s32 @!p0 $0x1C02  }
0x32: {  	[timem:s3], [sflag:s2] =	dma.local @!p0 [hbm:s0], s1  }
0x33: {  	s0 =	simm.s32 @!p0 $0x2  }
0x34: {  	_ =	swait.ge @!p0 [sflag:s0], s1  }
0x35: {  	s1 =	ssub.s32 @!p0 $0x0, s1;
	[sflag:s0] =	ssyncset.done @!p0 $0x0  }
0x36: {  	[sflag:s0] =	ssyncadd.s32 @!p0 s1  }
0x37: {  	[bflag:$0x3] =	sbarrier.arrive $0xFFFF  }
0x38: {  	_ =	shalt  }

// kernel: kernel.9.cloned.1.call-start
scs
__scs_entry_jumppad:
0x0: {  	(pc) =	sbr.rel $0x88, $3  }
0x1: {  	(tag) =	ssettag $0x0;
	lr =	simm.s32 $0x1  }
0x2: {  	[smem:$0x3F93] =	sst lr;
	_ =	strace $0xD0000000  }
0x3: {  	_ = 	snop  }
0x4: {  	_ = 	snop  }
0x5: {  	_ = 	snop  }
0x6: {  	_ = 	snop  }
0x7: {  	_ = 	snop  }
__scs_overlays_trampoline_lowered:
0x8: {  	[smem:$0x3FA2] =	sst s0  }
0x9: {  	[smem:$0x3FA3] =	sst s1  }
0xa: {  	[smem:$0x3FA4] =	sst s2  }
0xb: {  	[smem:$0x3FA5] =	sst s3  }
0xc: {  	[smem:$0x3FA6] =	sst s4  }
0xd: {  	[smem:$0x3FA7] =	sst s5  }
0xe: {  	[smem:$0x3FA8] =	sst s6  }
0xf: {  	[smem:$0x3FA9] =	sst s7  }
0x10: {  	[smem:$0x3FAA] =	sst s8  }
0x11: {  	[smem:$0x3FAB] =	sst s9;
	s0 =	simm.s32 @!p0 $0x0  }
0x12: {  	s1 =	sld [smem:$0x3F91];
	s0 =	simm.s32 @p0 $0x1  }
0x13: {  	[smem:$0x3FAC] =	sst s0;
	s0 =	simm.s32 @!p1 $0x0  }
0x14: {  	s2 =	sld [smem:$0x3F90];
	s0 =	simm.s32 @p1 $0x1  }
0x15: {  	[smem:$0x3FAD] =	sst s0;
	s0 =	simm.s32 @!p2 $0x0  }
0x16: {  	s3 =	sld [smem:$0x3FDB];
	s0 =	simm.s32 @p2 $0x1  }
0x17: {  	s4 =	simm.s32 $0x1BF5;
	[smem:$0x3FAF] =	sst s0  }
0x18: {  	s0 =	sld [smem:$0x3F92];
	_ =	swait.ge [sflag:s4], $0x0  }
0x19: {  	s7 =	sld [smem:$0x3F93]  }
0x1a: {  	s8 =	sadd.s32 $0xFFFFE003, lr  }
0x1b: {  	s9 =	sadd.s32 $0xFFFFFEF7, lr;
	s5 =	simm.s32 $0xFFFFFFFF;
	p2 =	slt.u32 s8, $0xFFFFF086  }
0x1c: {  	p1 =	slt.u32 s9, $0xF7A;
	s5 =	simm.s32 @!p2 $0x0  }
0x1d: {  	s5 =	simm.s32 @p1 $0x1;
	p0 =	seq.s32 s7, s2  }
0x1e: {  	s7 =	smul.u32 @!p0 $0xF7A, s2;
	p2 =	seq.s32 @!p0 s5, $0x0  }
0x1f: {  	s9 =	smul.u32 $0xF7A, s1;
	s8 =	simm.s32 @!p0 $0x1BF5;
	p2 =	por !p2, p0  }
0x20: {  	[sflag:s8] =	ssyncset.s32 @!p0 $0xFFFFF086;
	s6 =	sadd.s32 @!p0 s3, s7;
	s7 =	simm.s32 @!p0 $0x108  }
0x21: {  	s3 =	sadd.s32 s3, s9;
	s6 =	sadd.s32 @!p0 $0x88, s6;
	s7 =	simm.s32 @p2 $0x1082  }
0x22: {  	[simem:s7], [sflag:s8] =	dma.local @!p0 [hbm:s6], $0xF7A  }
0x23: {  	s9 =	sor.u32 $0xD0000000, s2;
	s6 =	simm.s32 $0x108;
	_ =	swait.ge @!p0 [sflag:s8], $0x0  }
0x24: {  	s3 =	sadd.s32 $0x88, s3;
	s6 =	simm.s32 @!p1 $0x1082;
	[sflag:s4] =	ssyncset.s32 $0xFFFFF086  }
0x25: {  	[simem:s6], [sflag:s4] =	dma.local [hbm:s3], $0xF7A  }
0x26: {  	[smem:$0x3F93] =	sst s1;
	(tag) =	ssettag s2;
	_ =	strace s9  }
0x27: {  	s1 =	sld [smem:$0x3FA3]  }
0x28: {  	s2 =	sld [smem:$0x3FA4]  }
0x29: {  	s4 =	sld [smem:$0x3FA6]  }
0x2a: {  	p0 =	seq.s32 s5, $0x0;
	s5 =	sld [smem:$0x3FA7]  }
0x2b: {  	s6 =	sld [smem:$0x3FA8]  }
0x2c: {  	s7 =	sld [smem:$0x3FA9]  }
0x2d: {  	s3 =	simm.s32 $0x108;
	s8 =	sld [smem:$0x3FAA]  }
0x2e: {  	s3 =	simm.s32 @!p0 $0x1082;
	s9 =	sld [smem:$0x3FAB]  }
0x2f: {  	lr =	sadd.s32 s0, s3;
	s0 =	sld [smem:$0x3FA2]  }
0x30: {  	s3 =	sld [smem:$0x3FA5]  }
0x31: {  	[smem:$0x3FAE] =	sst s10  }
0x32: {  	s10 =	sld [smem:$0x3FAC];
	_ =	sdelay $0x3  }
0x33: {  	p0 =	seq.s32 s10, $0x1;
	s10 =	sld [smem:$0x3FAE];
	_ =	sdelay $0x3  }
0x34: {  	[smem:$0x3FAE] =	sst s10  }
0x35: {  	s10 =	sld [smem:$0x3FAD];
	_ =	sdelay $0x3  }
0x36: {  	p1 =	seq.s32 s10, $0x1;
	s10 =	sld [smem:$0x3FAE];
	_ =	sdelay $0x3  }
0x37: {  	[smem:$0x3FAE] =	sst s10  }
0x38: {  	s10 =	sld [smem:$0x3FAF]  }
0x39: {  	_ = 	snop;
	(pc) =	sbr.ind lr, $3  }
0x3a: {  	_ = 	snop  }
0x3b: {  	_ = 	snop  }
0x3c: {  	p2 =	seq.s32 s10, $0x1;
	s10 =	sld [smem:$0x3FAE]  }
0x3d: {  	_ =	shalt  }
0x3e: {  	_ =	shalt  }
0x3f: {  	_ =	shalt  }
0x40: {  	_ =	shalt  }
0x41: {  	_ =	shalt  }
0x42: {  	_ =	shalt  }
0x43: {  	_ =	shalt  }
0x44: {  	_ =	shalt  }
0x45: {  	_ =	shalt  }
0x46: {  	_ =	shalt  }
0x47: {  	_ =	shalt  }
0x48: {  	_ =	shalt  }
0x49: {  	_ =	shalt  }
0x4a: {  	_ =	shalt  }
0x4b: {  	_ =	shalt  }
0x4c: {  	_ =	shalt  }
0x4d: {  	_ =	shalt  }
0x4e: {  	_ =	shalt  }
0x4f: {  	_ =	shalt  }
0x50: {  	_ =	shalt  }
0x51: {  	_ =	shalt  }
0x52: {  	_ =	shalt  }
0x53: {  	_ =	shalt  }
0x54: {  	_ =	shalt  }
0x55: {  	_ =	shalt  }
0x56: {  	_ =	shalt  }
0x57: {  	_ =	shalt  }
0x58: {  	_ =	shalt  }
0x59: {  	_ =	shalt  }
0x5a: {  	_ =	shalt  }
0x5b: {  	_ =	shalt  }
0x5c: {  	_ =	shalt  }
0x5d: {  	_ =	shalt  }
0x5e: {  	_ =	shalt  }
0x5f: {  	_ =	shalt  }
0x60: {  	_ =	shalt  }
0x61: {  	_ =	shalt  }
0x62: {  	_ =	shalt  }
0x63: {  	_ =	shalt  }
0x64: {  	_ =	shalt  }
0x65: {  	_ =	shalt  }
0x66: {  	_ =	shalt  }
0x67: {  	_ =	shalt  }
0x68: {  	_ =	shalt  }
0x69: {  	_ =	shalt  }
0x6a: {  	_ =	shalt  }
0x6b: {  	_ =	shalt  }
0x6c: {  	_ =	shalt  }
0x6d: {  	_ =	shalt  }
0x6e: {  	_ =	shalt  }
0x6f: {  	_ =	shalt  }
0x70: {  	_ =	shalt  }
0x71: {  	_ =	shalt  }
0x72: {  	_ =	shalt  }
0x73: {  	_ =	shalt  }
0x74: {  	_ =	shalt  }
0x75: {  	_ =	shalt  }
0x76: {  	_ =	shalt  }
0x77: {  	_ =	shalt  }
0x78: {  	_ =	shalt  }
0x79: {  	_ =	shalt  }
0x7a: {  	_ =	shalt  }
0x7b: {  	_ =	shalt  }
0x7c: {  	_ =	shalt  }
0x7d: {  	_ =	shalt  }
0x7e: {  	_ =	shalt  }
0x7f: {  	_ =	shalt  }
0x80: {  	_ =	shalt  }
0x81: {  	_ =	shalt  }
0x82: {  	_ =	shalt  }
0x83: {  	_ =	shalt  }
0x84: {  	_ =	shalt  }
0x85: {  	_ =	shalt  }
0x86: {  	_ =	shalt  }
0x87: {  	_ =	shalt  }
.Lfunc_end0:
.L_simem_size_0:
called_computation.1_lowered:
.L_overlay_start_0:
0x88: {  	s2 =	sld [smem:$0x3FD9]  }
0x89: {  	s3 =	sld [smem:$0x3FFE];
	_ =	sdelay $0x1  }
0x8a: {  	s1 =	srdreg.scid  }
0x8b: {  	s0 =	sand.u32 $0x1, s1  }
0x8c: {  	s18 =	sshll.u32 s0, $0xA;
	s2 =	sadd.s32 s3, s2  }
0x8d: {  	s2 =	sadd.s32 s2, s18  }
0x8e: {  	[smem:$0x3FBA] =	sst s2  }
0x8f: {  	_ = 	snop  }
0x90: {  	s19 =	sld [smem:$0x3FC9]  }
0x91: {  	s5 =	sld [smem:$0x3FC7]  }
0x92: {  	s4 =	sld [smem:$0x3FD0];
	(tm) =	ssettm $0x1  }
0x93: {  	s20 =	sld [smem:$0x3FFB];
	_ =	sdelay $0x3  }
0x94: {  	_ =	strace s20  }
0x95: {  	s2 =	sld [smem:$0x3FFC];
	_ =	sdelay $0x3  }
0x96: {  	_ =	strace s2  }
0x97: {  	s2 =	sld [smem:$0x3FFD];
	_ =	sdelay $0x3  }
0x98: {  	_ =	strace s2  }
0x99: {  	_ =	strace $0x8FFFFFFF  }
0x9a: {  	s21 =	sld [smem:$0x3FDB];
	_ =	sdelay $0x1  }
0x9b: {  	s6 =	simm.s32 $_scs_section_size  }
0x9c: {  	s7 =	simm.s32 $_size__tile_overlayer_lowered;
	s8 =	simm.s32 $_tile_overlayer_lowered  }
0x9d: {  	s9 =	simm.s32 $0x1BFF;
	s22 =	sshll.u32 s8, $0x1;
	s6 =	sadd.s32 s6, s21  }
0x9e: {  	s23 =	simm.s32 $0x0;
	s7 =	sshll.u32 s7, $0x1;
	s8 =	sadd.s32 s22, s6  }
0x9f: {  	[timem:s23], [sflag:s9] =	dma.local [hbm:s8], s7  }
0xa0: {  	_ =	swait.ge [sflag:s9], s7  }
0xa1: {  	s7 =	ssub.s32 $0x0, s7;
	[sflag:s9] =	ssyncset.done $0x0  }
0xa2: {  	[sflag:s9] =	ssyncadd.s32 s7;
	_ =	sdelay $0x1  }
0xa3: {  	s24 =	simm.s32 $0x1B8B  }
0xa4: {  	_ =	swait.ge [sflag:s24], $0x1  }
0xa5: {  	[sflag:s24] =	ssyncset.done $0x0  }
0xa6: {  	[sflag:s24] =	ssyncadd.s32 $0xFFFFFFFF  }
0xa7: {  	s7 =	sld [smem:$0x0]  }
0xa8: {  	s8 =	sand.u32 $0xFFFFFFFE, s1  }
0xa9: {  	p0 =	sne.s32 s1, s8  }
0xaa: {  	s8 =	sshll.u32 @p0 s8, $0xE  }
0xab: {  	s8 =	sadd.s32 @p0 $0x11B8D, s8;
	s9 =	sshll.u32 @p0 s7, $0x11  }
0xac: {  	s8 =	sor.u32 @p0 s9, s8  }
0xad: {  	[sflag:s8] =	ssyncadd.remote.s32 @p0 $0x1;
	_ =	sdelay $0x1  }
0xae: {  	s8 =	simm.s32 @p0 $0x1B8D  }
0xaf: {  	_ =	swait.eq @p0 [sflag:s8], $0x1  }
0xb0: {  	[sflag:s8] =	ssyncadd.s32 @p0 $0xFFFFFFFF  }
0xb1: {  	s9 =	sshll.u32 @!p0 s1, $0xE  }
0xb2: {  	s9 =	sor.u32 @!p0 $0x4000, s9;
	s8 =	simm.s32 @!p0 $0x1B8D  }
0xb3: {  	s7 =	sshll.u32 @!p0 s7, $0x11;
	s9 =	sadd.s32 @!p0 $0x11B8D, s9;
	_ =	swait.eq @!p0 [sflag:s8], $0x1  }
0xb4: {  	s7 =	sor.u32 @!p0 s7, s9;
	[sflag:s8] =	ssyncadd.s32 @!p0 $0xFFFFFFFF  }
0xb5: {  	s25 =	simm.s32 $0x1B8E;
	[sflag:s7] =	ssyncadd.remote.s32 @!p0 $0x1  }
0xb6: {  	s26 =	simm.s32 $execute0_lowered;
	[smem:$0x3FD2] =	sst s25  }
0xb7: {  	s7 =	sshll.u32 s26, $0x1;
	_ =	strace $0x80000049;
	[dreg:$0x1] =	wrdreg $0xFFFFFFFF  }
0xb8: {  	s28 =	simm.s32 $_size_execute0_lowered;
	s6 =	sadd.s32 s6, s7;
	[dreg:$0x0] =	wrdreg $0x0  }
0xb9: {  	s7 =	sshll.u32 s28, $0x1;
	[dreg:$0x2] =	wrdreg s6  }
0xba: {  	[dreg:$0x3] =	wrdreg s7  }
0xbb: {  	[dreg:$0x4] =	wrdreg $0xC0  }
0xbc: {  	_ =	task [dreg:s23], $0x5FFFF  }
0xbd: {  	[dreg:$0x1] =	wrdreg $0xFFFFFFFF  }
0xbe: {  	[dreg:$0x0] =	wrdreg $0x60  }
0xbf: {  	[dreg:$0x2] =	wrdreg s5  }
0xc0: {  	[dreg:$0x3] =	wrdreg s19  }
0xc1: {  	[dreg:$0x4] =	wrdreg s4  }
0xc2: {  	[dreg:$0x5] =	wrdreg $0xA  }
0xc3: {  	_ =	task.clear_ibuf [dreg:s23], $0x6FFFF;
	_ =	strace $0x90000049  }
0xc4: {  	s29 =	simm.s32 $0xA;
	_ =	strace $0x8000004B  }
0xc5: {  	_ =	swait.ge [sflag:s29], $0x1  }
0xc6: {  	[sflag:s29] =	ssyncadd.s32 $0xFFFFFFFF  }
0xc7: {  	_ =	strace $0x9000004B  }
0xc8: {  	_ =	sfence  }
0xc9: {  	s30 =	sld [smem:$0x0];
	_ =	sdelay $0x2  }
0xca: {  	s31 =	sshll.u32 s1, $0xD;
	s1 =	sshrl.u32 s1, $0x2  }
0xcb: {  	s4 =	sand.u32 $0x4000, s31;
	s1 =	sadd.s32 s1, s30  }
0xcc: {  	s0 =	sor.u32 s4, s0;
	s1 =	sshll.u32 s1, $0x11  }
0xcd: {  	s0 =	sor.u32 s1, s0  }
0xce: {  	s0 =	sadd.s32 $0x8F2B, s0  }
0xcf: {  	[sflag:s0] =	ssyncadd.remote.s32 $0x1  }
0xd0: {  	_ =	sfence.sel $0xFFFF  }
0xd1: {  	[dreg:$0x0] =	wrdreg $0xFFFFFFFF;
	(pc) =	sbr.abs _section_cstart, $3  }
0xd2: {  	[dreg:$0x1] =	wrdreg $0xFFFFFFFF  }
0xd3: {  	_ =	task.clear_ibuf [dreg:s23], $0x2FFFF;
	_ =	strace $0x9FFFFFFF  }
0xd4: {  	(tm) =	ssettm $0x7FFFFFFF  }
0xd5: {  	_ =	shalt  }
tec
execute0_lowered:
.L_overlay_start_1:
0x0: {  	(tag) =	ssettag $0x1  }
0x1: {  	s2 =	srdreg.scid  }
0x2: {  	s1 =	rddreg [dreg:$0x0];
	s0 =	stileid.u32;
	s10 =	sand.u32 $0x1, s2  }
0x3: {  	s4 =	rddreg [dreg:$0x1];
	s29 =	sshll.u32 s0, $0x9;
	s3 =	sshll.u32 s10, $0x8  }
0x4: {  	s11 =	rddreg [dreg:$0x2];
	s12 =	sor.u32 s3, s29  }
0x5: {  	s2 =	rddreg [dreg:$0x3];
	s3 =	simm.s32 $0x0;
	s5 =	sshrl.u32 s12, $0x3  }
0x6: {  	[smem:$0x7FF] =	sst s3;
	s4 =	sadd.s32 s5, s4  }
0x7: {  	_ =	strace $0x8000004A;
	s5 =	sadd.s32 $0x400, s4;
	s4 =	simm.s32 $0x2  }
0x8: {  	[tilespmem:s3], [sflag:$0x2] =	stream.linear.gather [hbm4b:s5+s3], $0x100, $0x38;
	[tilespmem:$0x8100] =	vst v63  }
0x9: {  	_ =	swait.ge [sflag:s4], $0x100  }
0xa: {  	[sflag:s4] =	ssyncset.done $0x0  }
0xb: {  	s6 =	simm.s32 $0x80;
	s7 =	simm.s32 $0x100;
	[sflag:s4] =	ssyncadd.s32 $0xFFFFFF00  }
0xc: {  	[tilespmem:s7], [sflag:$0x1] =	stream.indirect.gather [hbm4b:s1+s6], $0x80, s3, s6, $0xb8;
	[tilespmem:$0x8100] =	vst v63  }
0xd: {  	s8 =	simm.s32 $0x4100;
	s9 =	simm.s32 $0x1;
	s10 =	ssub.s32 $0x2, s10  }
0xe: {  	[tilespmem:s8], [sflag:$0x1] =	stream.indirect.gather [hbm4b:s1+s6], $0x80, s6, s6, $0xb8;
	[tilespmem:$0x8100] =	vst v63  }
0xf: {  	s13 =	sshrl.u32 s10, $0x1;
	_ =	swait.ge [sflag:s9], $0x4000  }
0x10: {  	s13 =	ssub.s32 s10, s13;
	[sflag:s9] =	ssyncset.done $0x0  }
0x11: {  	s31 =	smax.u32 s13, $0x1;
	[sflag:s9] =	ssyncadd.s32 $0xFFFFC000  }
0x12: {  	p0 =	sne.s32 s31, $0x1;
	_ =	swait.ge [sflag:s9], $0x4000  }
.Ltmp0:
0x13: {  	s30 =	sshll.u32 s12, $0x4;
	[sflag:s9] =	ssyncset.done $0x0;
	(pc) =	sbr.rel @!p0 .LBB2_2-.Ltmp0, $4  }
0x14: {  	s10 =	sadd.s32 s11, s30;
	[sflag:s9] =	ssyncadd.s32 $0xFFFFC000  }
0x15: {  	[hbm4b:s10+s3] =	stream.linear.scatter [tilespmem:s7], [sflag:$0x2], $0x8000, $0x38;
	[tilespmem:$0x8100] =	vst v63  }
0x16: {  	_ =	swait.ge [sflag:s4], $0x8000  }
0x17: {  	s11 =	sadd.s32 $0xFFFFFFFF, s31;
	[sflag:s4] =	ssyncset.done $0x0  }
.LBB2_1:
0x18: {  	p0 =	sne.s32 s11, $0x1;
	s11 =	sadd.s32 $0xFFFFFFFF, s11;
	[sflag:s4] =	ssyncadd.s32 $0xFFFF8000  }
0x19: {  	[tilespmem:s3], [sflag:$0x2] =	stream.linear.gather [hbm4b:s5+s3], $0x100, $0x38;
	[tilespmem:$0x8100] =	vst v63  }
0x1a: {  	_ =	swait.ge [sflag:s4], $0x100  }
0x1b: {  	[sflag:s4] =	ssyncset.done $0x0  }
0x1c: {  	[sflag:s4] =	ssyncadd.s32 $0xFFFFFF00  }
0x1d: {  	[tilespmem:s7], [sflag:$0x1] =	stream.indirect.gather [hbm4b:s1+s6], $0x80, s3, s6, $0xb8;
	[tilespmem:$0x8100] =	vst v63  }
0x1e: {  	_ = 	snop  }
0x1f: {  	[tilespmem:s8], [sflag:$0x1] =	stream.indirect.gather [hbm4b:s1+s6], $0x80, s6, s6, $0xb8;
	[tilespmem:$0x8100] =	vst v63  }
0x20: {  	_ =	swait.ge [sflag:s9], $0x4000  }
0x21: {  	[sflag:s9] =	ssyncset.done $0x0  }
0x22: {  	[sflag:s9] =	ssyncadd.s32 $0xFFFFC000  }
0x23: {  	_ =	swait.ge [sflag:s9], $0x4000  }
.Ltmp1:
0x24: {  	[sflag:s9] =	ssyncset.done $0x0;
	(pc) =	sbr.rel @p0 .LBB2_1-.Ltmp1, $4  }
0x25: {  	[sflag:s9] =	ssyncadd.s32 $0xFFFFC000  }
0x26: {  	[hbm4b:s10+s3] =	stream.linear.scatter [tilespmem:s7], [sflag:$0x2], $0x8000, $0x38;
	[tilespmem:$0x8100] =	vst v63  }
0x27: {  	_ =	swait.ge [sflag:s4], $0x8000  }
0x28: {  	[sflag:s4] =	ssyncset.done $0x0  }
.LBB2_2:
0x29: {  	[sflag:s4] =	ssyncadd.s32 $0xFFFF8000  }
0x2a: {  	_ =	sfence.sel $0x180000  }
0x2b: {  	[bflag:$0x0] =	sbarrier.arrive $0xFFFF  }
0x2c: {  	p0 =	sne.s32 s0, $0x0;
	_ =	strace $0x9000004A  }
0x2d: {  	s0 =	sadd.s32 @!p0 $0x100000, s2;
	[bflag:$0x2] =	sbarrier.arrive $0xFFFF  }
0x2e: {  	[sflag:s0] =	ssyncadd.tile.s32 @!p0 $0x1;
	_ =	shalt  }
.Lfunc_end2:
_tile_overlayer_lowered:
.L_overlay_start_2:
0x2f: {  	(tag) =	ssettag $0x2  }
0x30: {  	s0 =	rddreg [dreg:$0x0];
	s2 =	stileid.u32  }
0x31: {  	s1 =	rddreg [dreg:$0x1];
	p0 =	sne.s32 s2, $0x0  }
0x32: {  	s3 =	rddreg [dreg:$0x2];
	[bflag:$0x3] =	sbarrier.arrive $0xFFFF;
	s2 =	simm.s32 @!p0 $0x1C02  }
0x33: {  	[timem:s3], [sflag:s2] =	dma.local @!p0 [hbm:s0], s1  }
0x34: {  	s0 =	simm.s32 @!p0 $0x2  }
0x35: {  	_ =	swait.ge @!p0 [sflag:s0], s1  }
0x36: {  	s1 =	ssub.s32 @!p0 $0x0, s1;
	[sflag:s0] =	ssyncset.done @!p0 $0x0  }
0x37: {  	[sflag:s0] =	ssyncadd.s32 @!p0 s1  }
0x38: {  	[bflag:$0x3] =	sbarrier.arrive $0xFFFF  }
0x39: {  	_ =	shalt  }

</sc_bundles>
